<compile_context>
chip_gen: v7x
topology: tpu7x:2x2x1
jax: 0.10.2.dev20260603
libtpu: 0.0.44.dev20260713+nightly
codegen_flags: <defaults>
</compile_context>

<pallas_src>
import functools

import jax
import jax.numpy as jnp
from jax import lax
from jax.experimental import pallas as pl
from jax.experimental.pallas import tpu as pltpu
from jax.experimental.pallas import tpu_sc as plsc

NC = 2
NS = 16
C = 80


def _sc_agg_body(nloop, rows_per_sub, e_per_w,
                 x_hbm, ei_hbm,
                 psum_hbm, pdeg_hbm,
                 src_v0, src_v1, src_v2,
                 dst_v0, dst_v1, dst_v2,
                 rows_v0, rows_v1, rows_v2, ones_v,
                 acc_sh, deg_sh,
                 sem_i0, sem_i1, sem_i2,
                 sem_g0, sem_g1, sem_g2,
                 sem_s0, sem_s1, sem_s2):
    cid = lax.axis_index("c")
    sid = lax.axis_index("s")
    wbase = (cid * NS + sid) * e_per_w
    src_v = (src_v0, src_v1, src_v2)
    dst_v = (dst_v0, dst_v1, dst_v2)
    rows_v = (rows_v0, rows_v1, rows_v2)
    sem_i = (sem_i0, sem_i1, sem_i2)
    sem_g = (sem_g0, sem_g1, sem_g2)
    sem_s = (sem_s0, sem_s1, sem_s2)

    z16 = jnp.zeros((16,), jnp.float32)

    @pl.loop(0, C)
    def _(i):
        for k in range(rows_v0.shape[1] // 16):
            rows_v0[i, pl.ds(k * 16, 16)] = z16
        ones_v[i, pl.ds(0, 16)] = z16

    lo = sid * rows_per_sub
    nz = rows_per_sub // C
    for k in range(nz):
        pltpu.sync_copy(rows_v0, acc_sh.at[pl.ds(lo + k * C, C)])
        pltpu.sync_copy(ones_v, deg_sh.at[pl.ds(lo + k * C, C)])
    rem = rows_per_sub - nz * C
    if rem:
        pltpu.sync_copy(rows_v0.at[pl.ds(0, rem)],
                        acc_sh.at[pl.ds(lo + nz * C, rem)])
        pltpu.sync_copy(ones_v.at[pl.ds(0, rem)],
                        deg_sh.at[pl.ds(lo + nz * C, rem)])

    o16 = jnp.ones((16,), jnp.float32)

    @pl.loop(0, C)
    def _(i):
        ones_v[i, pl.ds(0, 16)] = o16

    plsc.subcore_barrier()

    def issue_idx(j, s):
        base = wbase + j * C
        pltpu.async_copy(ei_hbm.at[0, pl.ds(base, C)], src_v[s], sem_i[s])
        pltpu.async_copy(ei_hbm.at[1, pl.ds(base, C)], dst_v[s], sem_i[s])

    def wait_idx(j, s):
        base = wbase + j * C
        pltpu.make_async_copy(ei_hbm.at[0, pl.ds(base, C)], src_v[s],
                              sem_i[s]).wait()
        pltpu.make_async_copy(ei_hbm.at[1, pl.ds(base, C)], dst_v[s],
                              sem_i[s]).wait()

    def issue_gather(s):
        pltpu.async_copy(x_hbm.at[src_v[s]], rows_v[s], sem_g[s])

    def wait_gather(s):
        pltpu.make_async_copy(x_hbm.at[src_v[s]], rows_v[s],
                              sem_g[s]).wait()

    def issue_scat(s):
        pltpu.async_copy(rows_v[s], acc_sh.at[dst_v[s]], sem_s[s], add=True)
        pltpu.async_copy(ones_v, deg_sh.at[dst_v[s]], sem_s[s], add=True)

    def wait_scat(s):
        pltpu.make_async_copy(rows_v[s], acc_sh.at[dst_v[s]],
                              sem_s[s]).wait()
        pltpu.make_async_copy(ones_v, deg_sh.at[dst_v[s]],
                              sem_s[s]).wait()

    def stage(j, s, with_idx=True):
        wait_scat((s + 1) % 3)
        if with_idx:
            issue_idx(j + 1, (s + 1) % 3)
        wait_idx(j, s)
        issue_gather(s)
        wait_gather((s + 2) % 3)
        issue_scat((s + 2) % 3)

    issue_idx(0, 0)
    wait_idx(0, 0)
    issue_gather(0)
    issue_idx(1, 1)
    wait_idx(1, 1)
    issue_gather(1)
    issue_idx(2, 2)
    wait_gather(0)
    issue_scat(0)

    nsteady = (nloop - 5) // 3

    @pl.loop(0, nsteady)
    def _(t):
        j = 2 + t * 3
        stage(j, 2)
        stage(j + 1, 0)
        stage(j + 2, 1)

    stage(nloop - 3, 2)
    stage(nloop - 2, 0)
    stage(nloop - 1, 1, with_idx=False)
    wait_gather(1)
    issue_scat(1)
    wait_scat(0)
    wait_scat(1)

    plsc.subcore_barrier()

    pltpu.sync_copy(acc_sh.at[pl.ds(lo, rows_per_sub)],
                    psum_hbm.at[cid, pl.ds(lo, rows_per_sub)])
    pltpu.sync_copy(deg_sh.at[pl.ds(lo, rows_per_sub)],
                    pdeg_hbm.at[cid, pl.ds(lo, rows_per_sub)])


def _sc_aggregate(x, edge_index):
    n, d = x.shape
    e = edge_index.shape[1]
    assert e % (NC * C) == 0
    n_pad = -(-n // (NS * 8)) * (NS * 8)
    e_per_w = e // (NC * NS)
    assert e_per_w % C == 0
    nloop = e_per_w // C
    assert nloop >= 5 and (nloop - 5) % 3 == 0
    rows_per_sub = n_pad // NS
    assert rows_per_sub % 8 == 0 and (rows_per_sub % C) % 8 == 0

    mesh = plsc.VectorSubcoreMesh(core_axis_name="c", subcore_axis_name="s")
    body = functools.partial(_sc_agg_body, nloop, rows_per_sub, e_per_w)
    return pl.kernel(
        body,
        out_type=(jax.ShapeDtypeStruct((NC, n_pad, d), jnp.float32),
                  jax.ShapeDtypeStruct((NC, n_pad, 16), jnp.float32)),
        mesh=mesh,
        compiler_params=pltpu.CompilerParams(use_tc_tiling_on_sc=False),
        scratch_types=(
            [pltpu.VMEM((C,), jnp.int32)] * 6
            + [pltpu.VMEM((C, d), jnp.float32)] * 3
            + [pltpu.VMEM((C, 16), jnp.float32)]
            + [pltpu.VMEM_SHARED((n_pad, d), jnp.float32),
               pltpu.VMEM_SHARED((n_pad, 16), jnp.float32)]
            + [pltpu.SemaphoreType.DMA] * 9
        ),
    )(x, edge_index)


def _tc_body(p_ref, dp_ref, x_ref, wl_ref, wr_ref, bl_ref, lnw_ref, lnb_ref,
             o_ref):
    summed = p_ref[0] + p_ref[1]
    deg = dp_ref[0][:, :1] + dp_ref[1][:, :1]
    mean = summed / jnp.maximum(deg, 1.0)
    h = lax.dot_general(mean, wl_ref[...], (((1,), (1,)), ((), ())),
                        preferred_element_type=jnp.float32)
    h = h + lax.dot_general(x_ref[...], wr_ref[...], (((1,), (1,)), ((), ())),
                            preferred_element_type=jnp.float32)
    h = h + bl_ref[...]
    mu = jnp.mean(h, axis=-1, keepdims=True)
    hc = h - mu
    var = jnp.mean(hc * hc, axis=-1, keepdims=True)
    hn = hc * lax.rsqrt(var + 1e-5)
    o_ref[...] = jnp.maximum(hn * lnw_ref[...] + lnb_ref[...], 0.0)


def _tc_finish(psum, pdeg, x, W_l, b_l, W_r, ln_w, ln_b):
    n, d = x.shape
    blk = 2000
    grid = n // blk
    return pl.pallas_call(
        _tc_body,
        grid=(grid,),
        in_specs=[
            pl.BlockSpec((NC, blk, d), lambda i: (0, i, 0)),
            pl.BlockSpec((NC, blk, 16), lambda i: (0, i, 0)),
            pl.BlockSpec((blk, d), lambda i: (i, 0)),
            pl.BlockSpec((d, d), lambda i: (0, 0)),
            pl.BlockSpec((d, d), lambda i: (0, 0)),
            pl.BlockSpec((1, d), lambda i: (0, 0)),
            pl.BlockSpec((1, d), lambda i: (0, 0)),
            pl.BlockSpec((1, d), lambda i: (0, 0)),
        ],
        out_specs=pl.BlockSpec((blk, d), lambda i: (i, 0)),
        out_shape=jax.ShapeDtypeStruct((n, d), jnp.float32),
    )(psum, pdeg, x, W_l, W_r, b_l.reshape(1, d), ln_w.reshape(1, d),
      ln_b.reshape(1, d))


def kernel(x, edge_index, W_l, b_l, W_r, ln_w, ln_b):
    psum, pdeg = _sc_aggregate(x, edge_index)
    return _tc_finish(psum, pdeg, x, W_l, b_l, W_r, ln_w, ln_b)

# --- scband reference (transcript-rebuilt; emitter-appended) ---
"""Pipeline reference for scband-spatial-gnnlayer-13597866459873 (READ-ONLY COPY).

The authoritative reference and input builder live on the scoring server;
editing this copy changes nothing except your own understanding.
"""

import jax, jax.numpy as jnp
import numpy as np

N = 10000
E = 320000
D = 128

def setup_inputs(seed: int = 0) -> dict:
    key = jax.random.key(seed)
    ks = jax.random.split(key, 8)
    x = jax.random.normal(ks[0], (N, D), dtype=jnp.float32)
    edge_index = jax.random.randint(ks[1], (2, E), 0, N, dtype=jnp.int32)
    # SAGEConv parameters: lin_l applied to aggregated neighbors (with bias),
    # lin_r applied to root/self features (no bias), following PyG SAGEConv.
    W_l = jax.random.normal(ks[2], (D, D), dtype=jnp.float32) * 0.05
    b_l = jnp.zeros((D,), dtype=jnp.float32)
    W_r = jax.random.normal(ks[3], (D, D), dtype=jnp.float32) * 0.05
    # LayerNorm parameters
    ln_w = jnp.ones((D,), dtype=jnp.float32)
    ln_b = jnp.zeros((D,), dtype=jnp.float32)
    return {"x": x, "edge_index": edge_index, "W_l": W_l, "b_l": b_l, "W_r": W_r, "ln_w": ln_w, "ln_b": ln_b}

def reference(x, edge_index, W_l, b_l, W_r, ln_w, ln_b):
    src = edge_index[0]
    dst = edge_index[1]
    # gather source node features (messages)
    msgs = x[src]
    # mean aggregation at destination nodes
    summed = jax.ops.segment_sum(msgs, dst, num_segments=N)
    deg = jax.ops.segment_sum(jnp.ones((msgs.shape[0],), dtype=x.dtype), dst, num_segments=N)
    mean_agg = summed / jnp.clip(deg, 1.0)[:, None]
    # SAGEConv: lin_l(mean_agg) + lin_r(x)
    h = mean_agg @ W_l.T + b_l + x @ W_r.T
    # LayerNorm
    mu = jnp.mean(h, axis=-1, keepdims=True)
    var = jnp.var(h, axis=-1, keepdims=True)
    hn = (h - mu) / jnp.sqrt(var + 1e-5)
    h = hn * ln_w + ln_b
    # ReLU; dropout is identity in eval mode
    return jax.nn.relu(h)

if __name__ == "__main__":
    import jax
    _d = setup_inputs()
    print(jax.jit(kernel)(*tuple(_d.values())))

</pallas_src>

<mosaic_0001>
#map = affine_map<(d0, d1) -> (0, 0)>
#map1 = affine_map<(d0, d1) -> (0, 0, 0)>
module attributes {stable_mosaic.version = 14 : i64} {
  func.func @_sc_agg_body(%arg0: i32, %arg1: i32, %arg2: memref<10000x128xf32, #tpu.memory_space<hbm>>, %arg3: memref<2x320000xi32, #tpu.memory_space<hbm>>, %arg4: memref<2x10112x128xf32, #tpu.memory_space<hbm>>, %arg5: memref<2x10112x16xf32, #tpu.memory_space<hbm>>, %arg6: memref<80xi32, #tpu.memory_space<vmem>>, %arg7: memref<80xi32, #tpu.memory_space<vmem>>, %arg8: memref<80xi32, #tpu.memory_space<vmem>>, %arg9: memref<80xi32, #tpu.memory_space<vmem>>, %arg10: memref<80xi32, #tpu.memory_space<vmem>>, %arg11: memref<80xi32, #tpu.memory_space<vmem>>, %arg12: memref<80x128xf32, #tpu.memory_space<vmem>>, %arg13: memref<80x128xf32, #tpu.memory_space<vmem>>, %arg14: memref<80x128xf32, #tpu.memory_space<vmem>>, %arg15: memref<80x16xf32, #tpu.memory_space<vmem>>, %arg16: memref<10112x128xf32, #tpu.memory_space<vmem_shared>>, %arg17: memref<10112x16xf32, #tpu.memory_space<vmem_shared>>, %arg18: memref<!tpu.dma_semaphore, #tpu.memory_space<semaphore_mem>>, %arg19: memref<!tpu.dma_semaphore, #tpu.memory_space<semaphore_mem>>, %arg20: memref<!tpu.dma_semaphore, #tpu.memory_space<semaphore_mem>>, %arg21: memref<!tpu.dma_semaphore, #tpu.memory_space<semaphore_mem>>, %arg22: memref<!tpu.dma_semaphore, #tpu.memory_space<semaphore_mem>>, %arg23: memref<!tpu.dma_semaphore, #tpu.memory_space<semaphore_mem>>, %arg24: memref<!tpu.dma_semaphore, #tpu.memory_space<semaphore_mem>>, %arg25: memref<!tpu.dma_semaphore, #tpu.memory_space<semaphore_mem>>, %arg26: memref<!tpu.dma_semaphore, #tpu.memory_space<semaphore_mem>>) attributes {dimension_semantics = [#tpu.dimension_semantics<core_parallel>, #tpu.dimension_semantics<subcore_parallel>], iteration_bounds = array<i64: 2, 16>, scalar_prefetch = 0 : i64, scratch_operands = 21 : i64, tpu.core_type = #tpu.core_type<sc_vector_subcore>, window_params = [{transform_indices = #map}, {transform_indices = #map}, {transform_indices = #map1}, {transform_indices = #map1}]} {
    %mul3A = arith.constant 16 : i32
    %mul3A_0 = arith.muli %arg0, %mul3A : i32
    %add3A = arith.addi %mul3A_0, %arg1 : i32
    %mul3A_1 = arith.constant 10000 : i32
    %mul3A_2 = arith.muli %add3A, %mul3A_1 : i32
    %broadcast_in_dim3A = arith.constant 0.000000e+00 : f32
    %broadcast_in_dim3A_3 = vector.broadcast %broadcast_in_dim3A : f32 to vector<16xf32>
    %scan3A = arith.constant 0 : i32
    %scan3A_4 = arith.constant 80 : i32
    %scan3A_5 = arith.addi %scan3A, %scan3A_4 : i32
    %scan3A_6 = arith.constant 1 : i32
    scf.for %scan3A_263 = %scan3A to %scan3A_5 step %scan3A_6  : i32 {
      %mul3A_264 = arith.constant 1 : i32
      %mul3A_265 = arith.muli %scan3A_263, %mul3A_264 : i32
      %add3A_266 = arith.constant 0 : i32
      %add3A_267 = arith.addi %add3A_266, %mul3A_265 : i32
      %swap3A = arith.index_cast %add3A_267 : i32 to index
      %swap3A_268 = arith.constant 0 : index
      %swap3A_269 = tpu.vector_load %arg12[%swap3A, %swap3A_268] {strides = array<i32>} : memref<80x128xf32, #tpu.memory_space<vmem>>, vector<1x16xf32>,
      %swap3A_270 = vector.shape_cast %swap3A_269 : vector<1x16xf32> to vector<16xf32>
      %swap3A_271 = vector.shape_cast %broadcast_in_dim3A_3 : vector<16xf32> to vector<1x16xf32>
      tpu.vector_store %arg12[%swap3A, %swap3A_268], %swap3A_271 {strides = array<i32>} : memref<80x128xf32, #tpu.memory_space<vmem>>, vector<1x16xf32>,
      %swap3A_272 = arith.index_cast %add3A_267 : i32 to index
      %swap3A_273 = arith.constant 16 : index
      %swap3A_274 = tpu.vector_load %arg12[%swap3A_272, %swap3A_273] {strides = array<i32>} : memref<80x128xf32, #tpu.memory_space<vmem>>, vector<1x16xf32>,
      %swap3A_275 = vector.shape_cast %swap3A_274 : vector<1x16xf32> to vector<16xf32>
      %swap3A_276 = vector.shape_cast %broadcast_in_dim3A_3 : vector<16xf32> to vector<1x16xf32>
      tpu.vector_store %arg12[%swap3A_272, %swap3A_273], %swap3A_276 {strides = array<i32>} : memref<80x128xf32, #tpu.memory_space<vmem>>, vector<1x16xf32>,
      %swap3A_277 = arith.index_cast %add3A_267 : i32 to index
      %swap3A_278 = arith.constant 32 : index
      %swap3A_279 = tpu.vector_load %arg12[%swap3A_277, %swap3A_278] {strides = array<i32>} : memref<80x128xf32, #tpu.memory_space<vmem>>, vector<1x16xf32>,
      %swap3A_280 = vector.shape_cast %swap3A_279 : vector<1x16xf32> to vector<16xf32>
      %swap3A_281 = vector.shape_cast %broadcast_in_dim3A_3 : vector<16xf32> to vector<1x16xf32>
      tpu.vector_store %arg12[%swap3A_277, %swap3A_278], %swap3A_281 {strides = array<i32>} : memref<80x128xf32, #tpu.memory_space<vmem>>, vector<1x16xf32>,
      %swap3A_282 = arith.index_cast %add3A_267 : i32 to index
      %swap3A_283 = arith.constant 48 : index
      %swap3A_284 = tpu.vector_load %arg12[%swap3A_282, %swap3A_283] {strides = array<i32>} : memref<80x128xf32, #tpu.memory_space<vmem>>, vector<1x16xf32>,
      %swap3A_285 = vector.shape_cast %swap3A_284 : vector<1x16xf32> to vector<16xf32>
      %swap3A_286 = vector.shape_cast %broadcast_in_dim3A_3 : vector<16xf32> to vector<1x16xf32>
      tpu.vector_store %arg12[%swap3A_282, %swap3A_283], %swap3A_286 {strides = array<i32>} : memref<80x128xf32, #tpu.memory_space<vmem>>, vector<1x16xf32>,
      %swap3A_287 = arith.index_cast %add3A_267 : i32 to index
      %swap3A_288 = arith.constant 64 : index
      %swap3A_289 = tpu.vector_load %arg12[%swap3A_287, %swap3A_288] {strides = array<i32>} : memref<80x128xf32, #tpu.memory_space<vmem>>, vector<1x16xf32>,
      %swap3A_290 = vector.shape_cast %swap3A_289 : vector<1x16xf32> to vector<16xf32>
      %swap3A_291 = vector.shape_cast %broadcast_in_dim3A_3 : vector<16xf32> to vector<1x16xf32>
      tpu.vector_store %arg12[%swap3A_287, %swap3A_288], %swap3A_291 {strides = array<i32>} : memref<80x128xf32, #tpu.memory_space<vmem>>, vector<1x16xf32>,
      %swap3A_292 = arith.index_cast %add3A_267 : i32 to index
      %swap3A_293 = arith.constant 80 : index
      %swap3A_294 = tpu.vector_load %arg12[%swap3A_292, %swap3A_293] {strides = array<i32>} : memref<80x128xf32, #tpu.memory_space<vmem>>, vector<1x16xf32>,
      %swap3A_295 = vector.shape_cast %swap3A_294 : vector<1x16xf32> to vector<16xf32>
      %swap3A_296 = vector.shape_cast %broadcast_in_dim3A_3 : vector<16xf32> to vector<1x16xf32>
      tpu.vector_store %arg12[%swap3A_292, %swap3A_293], %swap3A_296 {strides = array<i32>} : memref<80x128xf32, #tpu.memory_space<vmem>>, vector<1x16xf32>,
      %swap3A_297 = arith.index_cast %add3A_267 : i32 to index
      %swap3A_298 = arith.constant 96 : index
      %swap3A_299 = tpu.vector_load %arg12[%swap3A_297, %swap3A_298] {strides = array<i32>} : memref<80x128xf32, #tpu.memory_space<vmem>>, vector<1x16xf32>,
      %swap3A_300 = vector.shape_cast %swap3A_299 : vector<1x16xf32> to vector<16xf32>
      %swap3A_301 = vector.shape_cast %broadcast_in_dim3A_3 : vector<16xf32> to vector<1x16xf32>
      tpu.vector_store %arg12[%swap3A_297, %swap3A_298], %swap3A_301 {strides = array<i32>} : memref<80x128xf32, #tpu.memory_space<vmem>>, vector<1x16xf32>,
      %swap3A_302 = arith.index_cast %add3A_267 : i32 to index
      %swap3A_303 = arith.constant 112 : index
      %swap3A_304 = tpu.vector_load %arg12[%swap3A_302, %swap3A_303] {strides = array<i32>} : memref<80x128xf32, #tpu.memory_space<vmem>>, vector<1x16xf32>,
      %swap3A_305 = vector.shape_cast %swap3A_304 : vector<1x16xf32> to vector<16xf32>
      %swap3A_306 = vector.shape_cast %broadcast_in_dim3A_3 : vector<16xf32> to vector<1x16xf32>
      tpu.vector_store %arg12[%swap3A_302, %swap3A_303], %swap3A_306 {strides = array<i32>} : memref<80x128xf32, #tpu.memory_space<vmem>>, vector<1x16xf32>,
      %swap3A_307 = arith.index_cast %add3A_267 : i32 to index
      %swap3A_308 = arith.constant 0 : index
      %swap3A_309 = tpu.vector_load %arg15[%swap3A_307, %swap3A_308] {strides = array<i32>} : memref<80x16xf32, #tpu.memory_space<vmem>>, vector<1x16xf32>,
      %swap3A_310 = vector.shape_cast %swap3A_309 : vector<1x16xf32> to vector<16xf32>
      %swap3A_311 = vector.shape_cast %broadcast_in_dim3A_3 : vector<16xf32> to vector<1x16xf32>
      tpu.vector_store %arg15[%swap3A_307, %swap3A_308], %swap3A_311 {strides = array<i32>} : memref<80x16xf32, #tpu.memory_space<vmem>>, vector<1x16xf32>,
    }
    %scan3A_7 = arith.constant 80 : i32
    %mul3A_8 = arith.constant 632 : i32
    %mul3A_9 = arith.muli %arg1, %mul3A_8 : i32
    %add3A_10 = arith.constant 0 : i32
    %add3A_11 = arith.addi %mul3A_9, %add3A_10 : i32
    "tpu.region"() ({
      %run_scoped3A = tpu.sem_alloc : memref<!tpu.dma_semaphore, #tpu.memory_space<semaphore_mem>>
      %dma_start3A_263 = arith.constant 0 : i32
      %dma_start3A_264 = tpu.memref_slice %arg16[%add3A_11, %dma_start3A_263] : memref<10112x128xf32, #tpu.memory_space<vmem_shared>> -> memref<80x128xf32, #tpu.memory_space<vmem_shared>>
      %dma_start3A_265 = arith.constant 0 : i32
      %dma_start3A_266 = tpu.memref_slice %arg16[%add3A_11, %dma_start3A_265] : memref<10112x128xf32, #tpu.memory_space<vmem_shared>> -> memref<80x128xf32, #tpu.memory_space<vmem_shared>>
      tpu.enqueue_dma source(%arg12 : memref<80x128xf32, #tpu.memory_space<vmem>>) target(%dma_start3A_266 : memref<80x128xf32, #tpu.memory_space<vmem_shared>>) target_semaphore(%run_scoped3A : memref<!tpu.dma_semaphore, #tpu.memory_space<semaphore_mem>>)
      %dma_wait3A_267 = arith.constant 0 : i32
      %dma_wait3A_268 = tpu.memref_slice %arg16[%add3A_11, %dma_wait3A_267] : memref<10112x128xf32, #tpu.memory_space<vmem_shared>> -> memref<80x128xf32, #tpu.memory_space<vmem_shared>>
      %dma_wait3A_269 = arith.constant 0 : i32
      %dma_wait3A_270 = tpu.memref_slice %arg16[%add3A_11, %dma_wait3A_269] : memref<10112x128xf32, #tpu.memory_space<vmem_shared>> -> memref<80x128xf32, #tpu.memory_space<vmem_shared>>
      tpu.wait_dma2 semaphore(%run_scoped3A : memref<!tpu.dma_semaphore, #tpu.memory_space<semaphore_mem>>) src(%arg12 : memref<80x128xf32, #tpu.memory_space<vmem>>) dst(%dma_wait3A_270 : memref<80x128xf32, #tpu.memory_space<vmem_shared>>)
      tpu.yield
    }) : () -> ()
    %add3A_12 = arith.constant 0 : i32
    %add3A_13 = arith.addi %mul3A_9, %add3A_12 : i32
    "tpu.region"() ({
      %run_scoped3A = tpu.sem_alloc : memref<!tpu.dma_semaphore, #tpu.memory_space<semaphore_mem>>
      %dma_start3A_263 = arith.constant 0 : i32
      %dma_start3A_264 = tpu.memref_slice %arg17[%add3A_13, %dma_start3A_263] : memref<10112x16xf32, #tpu.memory_space<vmem_shared>> -> memref<80x16xf32, #tpu.memory_space<vmem_shared>>
      %dma_start3A_265 = arith.constant 0 : i32
      %dma_start3A_266 = tpu.memref_slice %arg17[%add3A_13, %dma_start3A_265] : memref<10112x16xf32, #tpu.memory_space<vmem_shared>> -> memref<80x16xf32, #tpu.memory_space<vmem_shared>>
      tpu.enqueue_dma source(%arg15 : memref<80x16xf32, #tpu.memory_space<vmem>>) target(%dma_start3A_266 : memref<80x16xf32, #tpu.memory_space<vmem_shared>>) target_semaphore(%run_scoped3A : memref<!tpu.dma_semaphore, #tpu.memory_space<semaphore_mem>>)
      %dma_wait3A_267 = arith.constant 0 : i32
      %dma_wait3A_268 = tpu.memref_slice %arg17[%add3A_13, %dma_wait3A_267] : memref<10112x16xf32, #tpu.memory_space<vmem_shared>> -> memref<80x16xf32, #tpu.memory_space<vmem_shared>>
      %dma_wait3A_269 = arith.constant 0 : i32
      %dma_wait3A_270 = tpu.memref_slice %arg17[%add3A_13, %dma_wait3A_269] : memref<10112x16xf32, #tpu.memory_space<vmem_shared>> -> memref<80x16xf32, #tpu.memory_space<vmem_shared>>
      tpu.wait_dma2 semaphore(%run_scoped3A : memref<!tpu.dma_semaphore, #tpu.memory_space<semaphore_mem>>) src(%arg15 : memref<80x16xf32, #tpu.memory_space<vmem>>) dst(%dma_wait3A_270 : memref<80x16xf32, #tpu.memory_space<vmem_shared>>)
      tpu.yield
    }) : () -> ()
    %add3A_14 = arith.constant 80 : i32
    %add3A_15 = arith.addi %mul3A_9, %add3A_14 : i32
    "tpu.region"() ({
      %run_scoped3A = tpu.sem_alloc : memref<!tpu.dma_semaphore, #tpu.memory_space<semaphore_mem>>
      %dma_start3A_263 = arith.constant 0 : i32
      %dma_start3A_264 = tpu.memref_slice %arg16[%add3A_15, %dma_start3A_263] : memref<10112x128xf32, #tpu.memory_space<vmem_shared>> -> memref<80x128xf32, #tpu.memory_space<vmem_shared>>
      %dma_start3A_265 = arith.constant 0 : i32
      %dma_start3A_266 = tpu.memref_slice %arg16[%add3A_15, %dma_start3A_265] : memref<10112x128xf32, #tpu.memory_space<vmem_shared>> -> memref<80x128xf32, #tpu.memory_space<vmem_shared>>
      tpu.enqueue_dma source(%arg12 : memref<80x128xf32, #tpu.memory_space<vmem>>) target(%dma_start3A_266 : memref<80x128xf32, #tpu.memory_space<vmem_shared>>) target_semaphore(%run_scoped3A : memref<!tpu.dma_semaphore, #tpu.memory_space<semaphore_mem>>)
      %dma_wait3A_267 = arith.constant 0 : i32
      %dma_wait3A_268 = tpu.memref_slice %arg16[%add3A_15, %dma_wait3A_267] : memref<10112x128xf32, #tpu.memory_space<vmem_shared>> -> memref<80x128xf32, #tpu.memory_space<vmem_shared>>
      %dma_wait3A_269 = arith.constant 0 : i32
      %dma_wait3A_270 = tpu.memref_slice %arg16[%add3A_15, %dma_wait3A_269] : memref<10112x128xf32, #tpu.memory_space<vmem_shared>> -> memref<80x128xf32, #tpu.memory_space<vmem_shared>>
      tpu.wait_dma2 semaphore(%run_scoped3A : memref<!tpu.dma_semaphore, #tpu.memory_space<semaphore_mem>>) src(%arg12 : memref<80x128xf32, #tpu.memory_space<vmem>>) dst(%dma_wait3A_270 : memref<80x128xf32, #tpu.memory_space<vmem_shared>>)
      tpu.yield
    }) : () -> ()
    %add3A_16 = arith.constant 80 : i32
    %add3A_17 = arith.addi %mul3A_9, %add3A_16 : i32
    "tpu.region"() ({
      %run_scoped3A = tpu.sem_alloc : memref<!tpu.dma_semaphore, #tpu.memory_space<semaphore_mem>>
      %dma_start3A_263 = arith.constant 0 : i32
      %dma_start3A_264 = tpu.memref_slice %arg17[%add3A_17, %dma_start3A_263] : memref<10112x16xf32, #tpu.memory_space<vmem_shared>> -> memref<80x16xf32, #tpu.memory_space<vmem_shared>>
      %dma_start3A_265 = arith.constant 0 : i32
      %dma_start3A_266 = tpu.memref_slice %arg17[%add3A_17, %dma_start3A_265] : memref<10112x16xf32, #tpu.memory_space<vmem_shared>> -> memref<80x16xf32, #tpu.memory_space<vmem_shared>>
      tpu.enqueue_dma source(%arg15 : memref<80x16xf32, #tpu.memory_space<vmem>>) target(%dma_start3A_266 : memref<80x16xf32, #tpu.memory_space<vmem_shared>>) target_semaphore(%run_scoped3A : memref<!tpu.dma_semaphore, #tpu.memory_space<semaphore_mem>>)
      %dma_wait3A_267 = arith.constant 0 : i32
      %dma_wait3A_268 = tpu.memref_slice %arg17[%add3A_17, %dma_wait3A_267] : memref<10112x16xf32, #tpu.memory_space<vmem_shared>> -> memref<80x16xf32, #tpu.memory_space<vmem_shared>>
      %dma_wait3A_269 = arith.constant 0 : i32
      %dma_wait3A_270 = tpu.memref_slice %arg17[%add3A_17, %dma_wait3A_269] : memref<10112x16xf32, #tpu.memory_space<vmem_shared>> -> memref<80x16xf32, #tpu.memory_space<vmem_shared>>
      tpu.wait_dma2 semaphore(%run_scoped3A : memref<!tpu.dma_semaphore, #tpu.memory_space<semaphore_mem>>) src(%arg15 : memref<80x16xf32, #tpu.memory_space<vmem>>) dst(%dma_wait3A_270 : memref<80x16xf32, #tpu.memory_space<vmem_shared>>)
      tpu.yield
    }) : () -> ()
    %add3A_18 = arith.constant 160 : i32
    %add3A_19 = arith.addi %mul3A_9, %add3A_18 : i32
    "tpu.region"() ({
      %run_scoped3A = tpu.sem_alloc : memref<!tpu.dma_semaphore, #tpu.memory_space<semaphore_mem>>
      %dma_start3A_263 = arith.constant 0 : i32
      %dma_start3A_264 = tpu.memref_slice %arg16[%add3A_19, %dma_start3A_263] : memref<10112x128xf32, #tpu.memory_space<vmem_shared>> -> memref<80x128xf32, #tpu.memory_space<vmem_shared>>
      %dma_start3A_265 = arith.constant 0 : i32
      %dma_start3A_266 = tpu.memref_slice %arg16[%add3A_19, %dma_start3A_265] : memref<10112x128xf32, #tpu.memory_space<vmem_shared>> -> memref<80x128xf32, #tpu.memory_space<vmem_shared>>
      tpu.enqueue_dma source(%arg12 : memref<80x128xf32, #tpu.memory_space<vmem>>) target(%dma_start3A_266 : memref<80x128xf32, #tpu.memory_space<vmem_shared>>) target_semaphore(%run_scoped3A : memref<!tpu.dma_semaphore, #tpu.memory_space<semaphore_mem>>)
      %dma_wait3A_267 = arith.constant 0 : i32
      %dma_wait3A_268 = tpu.memref_slice %arg16[%add3A_19, %dma_wait3A_267] : memref<10112x128xf32, #tpu.memory_space<vmem_shared>> -> memref<80x128xf32, #tpu.memory_space<vmem_shared>>
      %dma_wait3A_269 = arith.constant 0 : i32
      %dma_wait3A_270 = tpu.memref_slice %arg16[%add3A_19, %dma_wait3A_269] : memref<10112x128xf32, #tpu.memory_space<vmem_shared>> -> memref<80x128xf32, #tpu.memory_space<vmem_shared>>
      tpu.wait_dma2 semaphore(%run_scoped3A : memref<!tpu.dma_semaphore, #tpu.memory_space<semaphore_mem>>) src(%arg12 : memref<80x128xf32, #tpu.memory_space<vmem>>) dst(%dma_wait3A_270 : memref<80x128xf32, #tpu.memory_space<vmem_shared>>)
      tpu.yield
    }) : () -> ()
    %add3A_20 = arith.constant 160 : i32
    %add3A_21 = arith.addi %mul3A_9, %add3A_20 : i32
    "tpu.region"() ({
      %run_scoped3A = tpu.sem_alloc : memref<!tpu.dma_semaphore, #tpu.memory_space<semaphore_mem>>
      %dma_start3A_263 = arith.constant 0 : i32
      %dma_start3A_264 = tpu.memref_slice %arg17[%add3A_21, %dma_start3A_263] : memref<10112x16xf32, #tpu.memory_space<vmem_shared>> -> memref<80x16xf32, #tpu.memory_space<vmem_shared>>
      %dma_start3A_265 = arith.constant 0 : i32
      %dma_start3A_266 = tpu.memref_slice %arg17[%add3A_21, %dma_start3A_265] : memref<10112x16xf32, #tpu.memory_space<vmem_shared>> -> memref<80x16xf32, #tpu.memory_space<vmem_shared>>
      tpu.enqueue_dma source(%arg15 : memref<80x16xf32, #tpu.memory_space<vmem>>) target(%dma_start3A_266 : memref<80x16xf32, #tpu.memory_space<vmem_shared>>) target_semaphore(%run_scoped3A : memref<!tpu.dma_semaphore, #tpu.memory_space<semaphore_mem>>)
      %dma_wait3A_267 = arith.constant 0 : i32
      %dma_wait3A_268 = tpu.memref_slice %arg17[%add3A_21, %dma_wait3A_267] : memref<10112x16xf32, #tpu.memory_space<vmem_shared>> -> memref<80x16xf32, #tpu.memory_space<vmem_shared>>
      %dma_wait3A_269 = arith.constant 0 : i32
      %dma_wait3A_270 = tpu.memref_slice %arg17[%add3A_21, %dma_wait3A_269] : memref<10112x16xf32, #tpu.memory_space<vmem_shared>> -> memref<80x16xf32, #tpu.memory_space<vmem_shared>>
      tpu.wait_dma2 semaphore(%run_scoped3A : memref<!tpu.dma_semaphore, #tpu.memory_space<semaphore_mem>>) src(%arg15 : memref<80x16xf32, #tpu.memory_space<vmem>>) dst(%dma_wait3A_270 : memref<80x16xf32, #tpu.memory_space<vmem_shared>>)
      tpu.yield
    }) : () -> ()
    %add3A_22 = arith.constant 240 : i32
    %add3A_23 = arith.addi %mul3A_9, %add3A_22 : i32
    "tpu.region"() ({
      %run_scoped3A = tpu.sem_alloc : memref<!tpu.dma_semaphore, #tpu.memory_space<semaphore_mem>>
      %dma_start3A_263 = arith.constant 0 : i32
      %dma_start3A_264 = tpu.memref_slice %arg16[%add3A_23, %dma_start3A_263] : memref<10112x128xf32, #tpu.memory_space<vmem_shared>> -> memref<80x128xf32, #tpu.memory_space<vmem_shared>>
      %dma_start3A_265 = arith.constant 0 : i32
      %dma_start3A_266 = tpu.memref_slice %arg16[%add3A_23, %dma_start3A_265] : memref<10112x128xf32, #tpu.memory_space<vmem_shared>> -> memref<80x128xf32, #tpu.memory_space<vmem_shared>>
      tpu.enqueue_dma source(%arg12 : memref<80x128xf32, #tpu.memory_space<vmem>>) target(%dma_start3A_266 : memref<80x128xf32, #tpu.memory_space<vmem_shared>>) target_semaphore(%run_scoped3A : memref<!tpu.dma_semaphore, #tpu.memory_space<semaphore_mem>>)
      %dma_wait3A_267 = arith.constant 0 : i32
      %dma_wait3A_268 = tpu.memref_slice %arg16[%add3A_23, %dma_wait3A_267] : memref<10112x128xf32, #tpu.memory_space<vmem_shared>> -> memref<80x128xf32, #tpu.memory_space<vmem_shared>>
      %dma_wait3A_269 = arith.constant 0 : i32
      %dma_wait3A_270 = tpu.memref_slice %arg16[%add3A_23, %dma_wait3A_269] : memref<10112x128xf32, #tpu.memory_space<vmem_shared>> -> memref<80x128xf32, #tpu.memory_space<vmem_shared>>
      tpu.wait_dma2 semaphore(%run_scoped3A : memref<!tpu.dma_semaphore, #tpu.memory_space<semaphore_mem>>) src(%arg12 : memref<80x128xf32, #tpu.memory_space<vmem>>) dst(%dma_wait3A_270 : memref<80x128xf32, #tpu.memory_space<vmem_shared>>)
      tpu.yield
    }) : () -> ()
    %add3A_24 = arith.constant 240 : i32
    %add3A_25 = arith.addi %mul3A_9, %add3A_24 : i32
    "tpu.region"() ({
      %run_scoped3A = tpu.sem_alloc : memref<!tpu.dma_semaphore, #tpu.memory_space<semaphore_mem>>
      %dma_start3A_263 = arith.constant 0 : i32
      %dma_start3A_264 = tpu.memref_slice %arg17[%add3A_25, %dma_start3A_263] : memref<10112x16xf32, #tpu.memory_space<vmem_shared>> -> memref<80x16xf32, #tpu.memory_space<vmem_shared>>
      %dma_start3A_265 = arith.constant 0 : i32
      %dma_start3A_266 = tpu.memref_slice %arg17[%add3A_25, %dma_start3A_265] : memref<10112x16xf32, #tpu.memory_space<vmem_shared>> -> memref<80x16xf32, #tpu.memory_space<vmem_shared>>
      tpu.enqueue_dma source(%arg15 : memref<80x16xf32, #tpu.memory_space<vmem>>) target(%dma_start3A_266 : memref<80x16xf32, #tpu.memory_space<vmem_shared>>) target_semaphore(%run_scoped3A : memref<!tpu.dma_semaphore, #tpu.memory_space<semaphore_mem>>)
      %dma_wait3A_267 = arith.constant 0 : i32
      %dma_wait3A_268 = tpu.memref_slice %arg17[%add3A_25, %dma_wait3A_267] : memref<10112x16xf32, #tpu.memory_space<vmem_shared>> -> memref<80x16xf32, #tpu.memory_space<vmem_shared>>
      %dma_wait3A_269 = arith.constant 0 : i32
      %dma_wait3A_270 = tpu.memref_slice %arg17[%add3A_25, %dma_wait3A_269] : memref<10112x16xf32, #tpu.memory_space<vmem_shared>> -> memref<80x16xf32, #tpu.memory_space<vmem_shared>>
      tpu.wait_dma2 semaphore(%run_scoped3A : memref<!tpu.dma_semaphore, #tpu.memory_space<semaphore_mem>>) src(%arg15 : memref<80x16xf32, #tpu.memory_space<vmem>>) dst(%dma_wait3A_270 : memref<80x16xf32, #tpu.memory_space<vmem_shared>>)
      tpu.yield
    }) : () -> ()
    %add3A_26 = arith.constant 320 : i32
    %add3A_27 = arith.addi %mul3A_9, %add3A_26 : i32
    "tpu.region"() ({
      %run_scoped3A = tpu.sem_alloc : memref<!tpu.dma_semaphore, #tpu.memory_space<semaphore_mem>>
      %dma_start3A_263 = arith.constant 0 : i32
      %dma_start3A_264 = tpu.memref_slice %arg16[%add3A_27, %dma_start3A_263] : memref<10112x128xf32, #tpu.memory_space<vmem_shared>> -> memref<80x128xf32, #tpu.memory_space<vmem_shared>>
      %dma_start3A_265 = arith.constant 0 : i32
      %dma_start3A_266 = tpu.memref_slice %arg16[%add3A_27, %dma_start3A_265] : memref<10112x128xf32, #tpu.memory_space<vmem_shared>> -> memref<80x128xf32, #tpu.memory_space<vmem_shared>>
      tpu.enqueue_dma source(%arg12 : memref<80x128xf32, #tpu.memory_space<vmem>>) target(%dma_start3A_266 : memref<80x128xf32, #tpu.memory_space<vmem_shared>>) target_semaphore(%run_scoped3A : memref<!tpu.dma_semaphore, #tpu.memory_space<semaphore_mem>>)
      %dma_wait3A_267 = arith.constant 0 : i32
      %dma_wait3A_268 = tpu.memref_slice %arg16[%add3A_27, %dma_wait3A_267] : memref<10112x128xf32, #tpu.memory_space<vmem_shared>> -> memref<80x128xf32, #tpu.memory_space<vmem_shared>>
      %dma_wait3A_269 = arith.constant 0 : i32
      %dma_wait3A_270 = tpu.memref_slice %arg16[%add3A_27, %dma_wait3A_269] : memref<10112x128xf32, #tpu.memory_space<vmem_shared>> -> memref<80x128xf32, #tpu.memory_space<vmem_shared>>
      tpu.wait_dma2 semaphore(%run_scoped3A : memref<!tpu.dma_semaphore, #tpu.memory_space<semaphore_mem>>) src(%arg12 : memref<80x128xf32, #tpu.memory_space<vmem>>) dst(%dma_wait3A_270 : memref<80x128xf32, #tpu.memory_space<vmem_shared>>)
      tpu.yield
    }) : () -> ()
    %add3A_28 = arith.constant 320 : i32
    %add3A_29 = arith.addi %mul3A_9, %add3A_28 : i32
    "tpu.region"() ({
      %run_scoped3A = tpu.sem_alloc : memref<!tpu.dma_semaphore, #tpu.memory_space<semaphore_mem>>
      %dma_start3A_263 = arith.constant 0 : i32
      %dma_start3A_264 = tpu.memref_slice %arg17[%add3A_29, %dma_start3A_263] : memref<10112x16xf32, #tpu.memory_space<vmem_shared>> -> memref<80x16xf32, #tpu.memory_space<vmem_shared>>
      %dma_start3A_265 = arith.constant 0 : i32
      %dma_start3A_266 = tpu.memref_slice %arg17[%add3A_29, %dma_start3A_265] : memref<10112x16xf32, #tpu.memory_space<vmem_shared>> -> memref<80x16xf32, #tpu.memory_space<vmem_shared>>
      tpu.enqueue_dma source(%arg15 : memref<80x16xf32, #tpu.memory_space<vmem>>) target(%dma_start3A_266 : memref<80x16xf32, #tpu.memory_space<vmem_shared>>) target_semaphore(%run_scoped3A : memref<!tpu.dma_semaphore, #tpu.memory_space<semaphore_mem>>)
      %dma_wait3A_267 = arith.constant 0 : i32
      %dma_wait3A_268 = tpu.memref_slice %arg17[%add3A_29, %dma_wait3A_267] : memref<10112x16xf32, #tpu.memory_space<vmem_shared>> -> memref<80x16xf32, #tpu.memory_space<vmem_shared>>
      %dma_wait3A_269 = arith.constant 0 : i32
      %dma_wait3A_270 = tpu.memref_slice %arg17[%add3A_29, %dma_wait3A_269] : memref<10112x16xf32, #tpu.memory_space<vmem_shared>> -> memref<80x16xf32, #tpu.memory_space<vmem_shared>>
      tpu.wait_dma2 semaphore(%run_scoped3A : memref<!tpu.dma_semaphore, #tpu.memory_space<semaphore_mem>>) src(%arg15 : memref<80x16xf32, #tpu.memory_space<vmem>>) dst(%dma_wait3A_270 : memref<80x16xf32, #tpu.memory_space<vmem_shared>>)
      tpu.yield
    }) : () -> ()
    %add3A_30 = arith.constant 400 : i32
    %add3A_31 = arith.addi %mul3A_9, %add3A_30 : i32
    "tpu.region"() ({
      %run_scoped3A = tpu.sem_alloc : memref<!tpu.dma_semaphore, #tpu.memory_space<semaphore_mem>>
      %dma_start3A_263 = arith.constant 0 : i32
      %dma_start3A_264 = tpu.memref_slice %arg16[%add3A_31, %dma_start3A_263] : memref<10112x128xf32, #tpu.memory_space<vmem_shared>> -> memref<80x128xf32, #tpu.memory_space<vmem_shared>>
      %dma_start3A_265 = arith.constant 0 : i32
      %dma_start3A_266 = tpu.memref_slice %arg16[%add3A_31, %dma_start3A_265] : memref<10112x128xf32, #tpu.memory_space<vmem_shared>> -> memref<80x128xf32, #tpu.memory_space<vmem_shared>>
      tpu.enqueue_dma source(%arg12 : memref<80x128xf32, #tpu.memory_space<vmem>>) target(%dma_start3A_266 : memref<80x128xf32, #tpu.memory_space<vmem_shared>>) target_semaphore(%run_scoped3A : memref<!tpu.dma_semaphore, #tpu.memory_space<semaphore_mem>>)
      %dma_wait3A_267 = arith.constant 0 : i32
      %dma_wait3A_268 = tpu.memref_slice %arg16[%add3A_31, %dma_wait3A_267] : memref<10112x128xf32, #tpu.memory_space<vmem_shared>> -> memref<80x128xf32, #tpu.memory_space<vmem_shared>>
      %dma_wait3A_269 = arith.constant 0 : i32
      %dma_wait3A_270 = tpu.memref_slice %arg16[%add3A_31, %dma_wait3A_269] : memref<10112x128xf32, #tpu.memory_space<vmem_shared>> -> memref<80x128xf32, #tpu.memory_space<vmem_shared>>
      tpu.wait_dma2 semaphore(%run_scoped3A : memref<!tpu.dma_semaphore, #tpu.memory_space<semaphore_mem>>) src(%arg12 : memref<80x128xf32, #tpu.memory_space<vmem>>) dst(%dma_wait3A_270 : memref<80x128xf32, #tpu.memory_space<vmem_shared>>)
      tpu.yield
    }) : () -> ()
    %add3A_32 = arith.constant 400 : i32
    %add3A_33 = arith.addi %mul3A_9, %add3A_32 : i32
    "tpu.region"() ({
      %run_scoped3A = tpu.sem_alloc : memref<!tpu.dma_semaphore, #tpu.memory_space<semaphore_mem>>
      %dma_start3A_263 = arith.constant 0 : i32
      %dma_start3A_264 = tpu.memref_slice %arg17[%add3A_33, %dma_start3A_263] : memref<10112x16xf32, #tpu.memory_space<vmem_shared>> -> memref<80x16xf32, #tpu.memory_space<vmem_shared>>
      %dma_start3A_265 = arith.constant 0 : i32
      %dma_start3A_266 = tpu.memref_slice %arg17[%add3A_33, %dma_start3A_265] : memref<10112x16xf32, #tpu.memory_space<vmem_shared>> -> memref<80x16xf32, #tpu.memory_space<vmem_shared>>
      tpu.enqueue_dma source(%arg15 : memref<80x16xf32, #tpu.memory_space<vmem>>) target(%dma_start3A_266 : memref<80x16xf32, #tpu.memory_space<vmem_shared>>) target_semaphore(%run_scoped3A : memref<!tpu.dma_semaphore, #tpu.memory_space<semaphore_mem>>)
      %dma_wait3A_267 = arith.constant 0 : i32
      %dma_wait3A_268 = tpu.memref_slice %arg17[%add3A_33, %dma_wait3A_267] : memref<10112x16xf32, #tpu.memory_space<vmem_shared>> -> memref<80x16xf32, #tpu.memory_space<vmem_shared>>
      %dma_wait3A_269 = arith.constant 0 : i32
      %dma_wait3A_270 = tpu.memref_slice %arg17[%add3A_33, %dma_wait3A_269] : memref<10112x16xf32, #tpu.memory_space<vmem_shared>> -> memref<80x16xf32, #tpu.memory_space<vmem_shared>>
      tpu.wait_dma2 semaphore(%run_scoped3A : memref<!tpu.dma_semaphore, #tpu.memory_space<semaphore_mem>>) src(%arg15 : memref<80x16xf32, #tpu.memory_space<vmem>>) dst(%dma_wait3A_270 : memref<80x16xf32, #tpu.memory_space<vmem_shared>>)
      tpu.yield
    }) : () -> ()
    %add3A_34 = arith.constant 480 : i32
    %add3A_35 = arith.addi %mul3A_9, %add3A_34 : i32
    "tpu.region"() ({
      %run_scoped3A = tpu.sem_alloc : memref<!tpu.dma_semaphore, #tpu.memory_space<semaphore_mem>>
      %dma_start3A_263 = arith.constant 0 : i32
      %dma_start3A_264 = tpu.memref_slice %arg16[%add3A_35, %dma_start3A_263] : memref<10112x128xf32, #tpu.memory_space<vmem_shared>> -> memref<80x128xf32, #tpu.memory_space<vmem_shared>>
      %dma_start3A_265 = arith.constant 0 : i32
      %dma_start3A_266 = tpu.memref_slice %arg16[%add3A_35, %dma_start3A_265] : memref<10112x128xf32, #tpu.memory_space<vmem_shared>> -> memref<80x128xf32, #tpu.memory_space<vmem_shared>>
      tpu.enqueue_dma source(%arg12 : memref<80x128xf32, #tpu.memory_space<vmem>>) target(%dma_start3A_266 : memref<80x128xf32, #tpu.memory_space<vmem_shared>>) target_semaphore(%run_scoped3A : memref<!tpu.dma_semaphore, #tpu.memory_space<semaphore_mem>>)
      %dma_wait3A_267 = arith.constant 0 : i32
      %dma_wait3A_268 = tpu.memref_slice %arg16[%add3A_35, %dma_wait3A_267] : memref<10112x128xf32, #tpu.memory_space<vmem_shared>> -> memref<80x128xf32, #tpu.memory_space<vmem_shared>>
      %dma_wait3A_269 = arith.constant 0 : i32
      %dma_wait3A_270 = tpu.memref_slice %arg16[%add3A_35, %dma_wait3A_269] : memref<10112x128xf32, #tpu.memory_space<vmem_shared>> -> memref<80x128xf32, #tpu.memory_space<vmem_shared>>
      tpu.wait_dma2 semaphore(%run_scoped3A : memref<!tpu.dma_semaphore, #tpu.memory_space<semaphore_mem>>) src(%arg12 : memref<80x128xf32, #tpu.memory_space<vmem>>) dst(%dma_wait3A_270 : memref<80x128xf32, #tpu.memory_space<vmem_shared>>)
      tpu.yield
    }) : () -> ()
    %add3A_36 = arith.constant 480 : i32
    %add3A_37 = arith.addi %mul3A_9, %add3A_36 : i32
    "tpu.region"() ({
      %run_scoped3A = tpu.sem_alloc : memref<!tpu.dma_semaphore, #tpu.memory_space<semaphore_mem>>
      %dma_start3A_263 = arith.constant 0 : i32
      %dma_start3A_264 = tpu.memref_slice %arg17[%add3A_37, %dma_start3A_263] : memref<10112x16xf32, #tpu.memory_space<vmem_shared>> -> memref<80x16xf32, #tpu.memory_space<vmem_shared>>
      %dma_start3A_265 = arith.constant 0 : i32
      %dma_start3A_266 = tpu.memref_slice %arg17[%add3A_37, %dma_start3A_265] : memref<10112x16xf32, #tpu.memory_space<vmem_shared>> -> memref<80x16xf32, #tpu.memory_space<vmem_shared>>
      tpu.enqueue_dma source(%arg15 : memref<80x16xf32, #tpu.memory_space<vmem>>) target(%dma_start3A_266 : memref<80x16xf32, #tpu.memory_space<vmem_shared>>) target_semaphore(%run_scoped3A : memref<!tpu.dma_semaphore, #tpu.memory_space<semaphore_mem>>)
      %dma_wait3A_267 = arith.constant 0 : i32
      %dma_wait3A_268 = tpu.memref_slice %arg17[%add3A_37, %dma_wait3A_267] : memref<10112x16xf32, #tpu.memory_space<vmem_shared>> -> memref<80x16xf32, #tpu.memory_space<vmem_shared>>
      %dma_wait3A_269 = arith.constant 0 : i32
      %dma_wait3A_270 = tpu.memref_slice %arg17[%add3A_37, %dma_wait3A_269] : memref<10112x16xf32, #tpu.memory_space<vmem_shared>> -> memref<80x16xf32, #tpu.memory_space<vmem_shared>>
      tpu.wait_dma2 semaphore(%run_scoped3A : memref<!tpu.dma_semaphore, #tpu.memory_space<semaphore_mem>>) src(%arg15 : memref<80x16xf32, #tpu.memory_space<vmem>>) dst(%dma_wait3A_270 : memref<80x16xf32, #tpu.memory_space<vmem_shared>>)
      tpu.yield
    }) : () -> ()
    %add3A_38 = arith.constant 560 : i32
    %add3A_39 = arith.addi %mul3A_9, %add3A_38 : i32
    "tpu.region"() ({
      %run_scoped3A = tpu.sem_alloc : memref<!tpu.dma_semaphore, #tpu.memory_space<semaphore_mem>>
      %dma_start3A_263 = arith.constant 0 : i32
      %dma_start3A_264 = arith.constant 0 : i32
      %dma_start3A_265 = tpu.memref_slice %arg12[%dma_start3A_263, %dma_start3A_264] : memref<80x128xf32, #tpu.memory_space<vmem>> -> memref<72x128xf32, #tpu.memory_space<vmem>>
      %dma_start3A_266 = arith.constant 0 : i32
      %dma_start3A_267 = tpu.memref_slice %arg16[%add3A_39, %dma_start3A_266] : memref<10112x128xf32, #tpu.memory_space<vmem_shared>> -> memref<72x128xf32, #tpu.memory_space<vmem_shared>>
      %dma_start3A_268 = arith.constant 0 : i32
      %dma_start3A_269 = tpu.memref_slice %arg16[%add3A_39, %dma_start3A_268] : memref<10112x128xf32, #tpu.memory_space<vmem_shared>> -> memref<72x128xf32, #tpu.memory_space<vmem_shared>>
      %dma_start3A_270 = arith.constant 0 : i32
      %dma_start3A_271 = arith.constant 0 : i32
      %dma_start3A_272 = tpu.memref_slice %arg12[%dma_start3A_270, %dma_start3A_271] : memref<80x128xf32, #tpu.memory_space<vmem>> -> memref<72x128xf32, #tpu.memory_space<vmem>>
      tpu.enqueue_dma source(%dma_start3A_272 : memref<72x128xf32, #tpu.memory_space<vmem>>) target(%dma_start3A_269 : memref<72x128xf32, #tpu.memory_space<vmem_shared>>) target_semaphore(%run_scoped3A : memref<!tpu.dma_semaphore, #tpu.memory_space<semaphore_mem>>)
      %dma_wait3A_273 = arith.constant 0 : i32
      %dma_wait3A_274 = arith.constant 0 : i32
      %dma_wait3A_275 = tpu.memref_slice %arg12[%dma_wait3A_273, %dma_wait3A_274] : memref<80x128xf32, #tpu.memory_space<vmem>> -> memref<72x128xf32, #tpu.memory_space<vmem>>
      %dma_wait3A_276 = arith.constant 0 : i32
      %dma_wait3A_277 = tpu.memref_slice %arg16[%add3A_39, %dma_wait3A_276] : memref<10112x128xf32, #tpu.memory_space<vmem_shared>> -> memref<72x128xf32, #tpu.memory_space<vmem_shared>>
      %dma_wait3A_278 = arith.constant 0 : i32
      %dma_wait3A_279 = tpu.memref_slice %arg16[%add3A_39, %dma_wait3A_278] : memref<10112x128xf32, #tpu.memory_space<vmem_shared>> -> memref<72x128xf32, #tpu.memory_space<vmem_shared>>
      %dma_wait3A_280 = arith.constant 0 : i32
      %dma_wait3A_281 = arith.constant 0 : i32
      %dma_wait3A_282 = tpu.memref_slice %arg12[%dma_wait3A_280, %dma_wait3A_281] : memref<80x128xf32, #tpu.memory_space<vmem>> -> memref<72x128xf32, #tpu.memory_space<vmem>>
      tpu.wait_dma2 semaphore(%run_scoped3A : memref<!tpu.dma_semaphore, #tpu.memory_space<semaphore_mem>>) src(%dma_wait3A_282 : memref<72x128xf32, #tpu.memory_space<vmem>>) dst(%dma_wait3A_279 : memref<72x128xf32, #tpu.memory_space<vmem_shared>>)
      tpu.yield
    }) : () -> ()
    %add3A_40 = arith.constant 560 : i32
    %add3A_41 = arith.addi %mul3A_9, %add3A_40 : i32
    "tpu.region"() ({
      %run_scoped3A = tpu.sem_alloc : memref<!tpu.dma_semaphore, #tpu.memory_space<semaphore_mem>>
      %dma_start3A_263 = arith.constant 0 : i32
      %dma_start3A_264 = arith.constant 0 : i32
      %dma_start3A_265 = tpu.memref_slice %arg15[%dma_start3A_263, %dma_start3A_264] : memref<80x16xf32, #tpu.memory_space<vmem>> -> memref<72x16xf32, #tpu.memory_space<vmem>>
      %dma_start3A_266 = arith.constant 0 : i32
      %dma_start3A_267 = tpu.memref_slice %arg17[%add3A_41, %dma_start3A_266] : memref<10112x16xf32, #tpu.memory_space<vmem_shared>> -> memref<72x16xf32, #tpu.memory_space<vmem_shared>>
      %dma_start3A_268 = arith.constant 0 : i32
      %dma_start3A_269 = tpu.memref_slice %arg17[%add3A_41, %dma_start3A_268] : memref<10112x16xf32, #tpu.memory_space<vmem_shared>> -> memref<72x16xf32, #tpu.memory_space<vmem_shared>>
      %dma_start3A_270 = arith.constant 0 : i32
      %dma_start3A_271 = arith.constant 0 : i32
      %dma_start3A_272 = tpu.memref_slice %arg15[%dma_start3A_270, %dma_start3A_271] : memref<80x16xf32, #tpu.memory_space<vmem>> -> memref<72x16xf32, #tpu.memory_space<vmem>>
      tpu.enqueue_dma source(%dma_start3A_272 : memref<72x16xf32, #tpu.memory_space<vmem>>) target(%dma_start3A_269 : memref<72x16xf32, #tpu.memory_space<vmem_shared>>) target_semaphore(%run_scoped3A : memref<!tpu.dma_semaphore, #tpu.memory_space<semaphore_mem>>)
      %dma_wait3A_273 = arith.constant 0 : i32
      %dma_wait3A_274 = arith.constant 0 : i32
      %dma_wait3A_275 = tpu.memref_slice %arg15[%dma_wait3A_273, %dma_wait3A_274] : memref<80x16xf32, #tpu.memory_space<vmem>> -> memref<72x16xf32, #tpu.memory_space<vmem>>
      %dma_wait3A_276 = arith.constant 0 : i32
      %dma_wait3A_277 = tpu.memref_slice %arg17[%add3A_41, %dma_wait3A_276] : memref<10112x16xf32, #tpu.memory_space<vmem_shared>> -> memref<72x16xf32, #tpu.memory_space<vmem_shared>>
      %dma_wait3A_278 = arith.constant 0 : i32
      %dma_wait3A_279 = tpu.memref_slice %arg17[%add3A_41, %dma_wait3A_278] : memref<10112x16xf32, #tpu.memory_space<vmem_shared>> -> memref<72x16xf32, #tpu.memory_space<vmem_shared>>
      %dma_wait3A_280 = arith.constant 0 : i32
      %dma_wait3A_281 = arith.constant 0 : i32
      %dma_wait3A_282 = tpu.memref_slice %arg15[%dma_wait3A_280, %dma_wait3A_281] : memref<80x16xf32, #tpu.memory_space<vmem>> -> memref<72x16xf32, #tpu.memory_space<vmem>>
      tpu.wait_dma2 semaphore(%run_scoped3A : memref<!tpu.dma_semaphore, #tpu.memory_space<semaphore_mem>>) src(%dma_wait3A_282 : memref<72x16xf32, #tpu.memory_space<vmem>>) dst(%dma_wait3A_279 : memref<72x16xf32, #tpu.memory_space<vmem_shared>>)
      tpu.yield
    }) : () -> ()
    %broadcast_in_dim3A_42 = arith.constant 1.000000e+00 : f32
    %broadcast_in_dim3A_43 = vector.broadcast %broadcast_in_dim3A_42 : f32 to vector<16xf32>
    %scan3A_44 = arith.constant 0 : i32
    %scan3A_45 = arith.constant 80 : i32
    %scan3A_46 = arith.addi %scan3A_44, %scan3A_45 : i32
    %scan3A_47 = arith.constant 1 : i32
    scf.for %scan3A_263 = %scan3A_44 to %scan3A_46 step %scan3A_47  : i32 {
      %mul3A_264 = arith.constant 1 : i32
      %mul3A_265 = arith.muli %scan3A_263, %mul3A_264 : i32
      %add3A_266 = arith.constant 0 : i32
      %add3A_267 = arith.addi %add3A_266, %mul3A_265 : i32
      %swap3A = arith.index_cast %add3A_267 : i32 to index
      %swap3A_268 = arith.constant 0 : index
      %swap3A_269 = tpu.vector_load %arg15[%swap3A, %swap3A_268] {strides = array<i32>} : memref<80x16xf32, #tpu.memory_space<vmem>>, vector<1x16xf32>,
      %swap3A_270 = vector.shape_cast %swap3A_269 : vector<1x16xf32> to vector<16xf32>
      %swap3A_271 = vector.shape_cast %broadcast_in_dim3A_43 : vector<16xf32> to vector<1x16xf32>
      tpu.vector_store %arg15[%swap3A, %swap3A_268], %swap3A_271 {strides = array<i32>} : memref<80x16xf32, #tpu.memory_space<vmem>>, vector<1x16xf32>,
    }
    %scan3A_48 = arith.constant 80 : i32
    %barrier3A = arith.constant 0 : index
    tpu.barrier barrier_id(%barrier3A)
    %add3A_49 = arith.constant 0 : i32
    %add3A_50 = arith.addi %mul3A_2, %add3A_49 : i32
    %dma_start3A = arith.constant 0 : i32
    %dma_start3A_51 = tpu.memref_slice %arg3[%dma_start3A, %add3A_50] : memref<2x320000xi32, #tpu.memory_space<hbm>> -> memref<1x80xi32, #tpu.memory_space<hbm>>
    %dma_start3A_52 = tpu.memref_squeeze %dma_start3A_51 : memref<1x80xi32, #tpu.memory_space<hbm>> -> memref<80xi32, #tpu.memory_space<hbm>>
    %dma_start3A_53 = tpu.memref_slice %arg3[%dma_start3A, %add3A_50] : memref<2x320000xi32, #tpu.memory_space<hbm>> -> memref<1x80xi32, #tpu.memory_space<hbm>>
    %dma_start3A_54 = tpu.memref_squeeze %dma_start3A_53 : memref<1x80xi32, #tpu.memory_space<hbm>> -> memref<80xi32, #tpu.memory_space<hbm>>
    tpu.enqueue_dma source(%dma_start3A_54 : memref<80xi32, #tpu.memory_space<hbm>>) target(%arg6 : memref<80xi32, #tpu.memory_space<vmem>>) target_semaphore(%arg18 : memref<!tpu.dma_semaphore, #tpu.memory_space<semaphore_mem>>)
    %dma_start3A_55 = arith.constant 1 : i32
    %dma_start3A_56 = tpu.memref_slice %arg3[%dma_start3A_55, %add3A_50] : memref<2x320000xi32, #tpu.memory_space<hbm>> -> memref<1x80xi32, #tpu.memory_space<hbm>>
    %dma_start3A_57 = tpu.memref_squeeze %dma_start3A_56 : memref<1x80xi32, #tpu.memory_space<hbm>> -> memref<80xi32, #tpu.memory_space<hbm>>
    %dma_start3A_58 = tpu.memref_slice %arg3[%dma_start3A_55, %add3A_50] : memref<2x320000xi32, #tpu.memory_space<hbm>> -> memref<1x80xi32, #tpu.memory_space<hbm>>
    %dma_start3A_59 = tpu.memref_squeeze %dma_start3A_58 : memref<1x80xi32, #tpu.memory_space<hbm>> -> memref<80xi32, #tpu.memory_space<hbm>>
    tpu.enqueue_dma source(%dma_start3A_59 : memref<80xi32, #tpu.memory_space<hbm>>) target(%arg9 : memref<80xi32, #tpu.memory_space<vmem>>) target_semaphore(%arg18 : memref<!tpu.dma_semaphore, #tpu.memory_space<semaphore_mem>>)
    %add3A_60 = arith.constant 0 : i32
    %add3A_61 = arith.addi %mul3A_2, %add3A_60 : i32
    %dma_wait3A = arith.constant 0 : i32
    %dma_wait3A_62 = tpu.memref_slice %arg3[%dma_wait3A, %add3A_61] : memref<2x320000xi32, #tpu.memory_space<hbm>> -> memref<1x80xi32, #tpu.memory_space<hbm>>
    %dma_wait3A_63 = tpu.memref_squeeze %dma_wait3A_62 : memref<1x80xi32, #tpu.memory_space<hbm>> -> memref<80xi32, #tpu.memory_space<hbm>>
    %dma_wait3A_64 = tpu.memref_slice %arg3[%dma_wait3A, %add3A_61] : memref<2x320000xi32, #tpu.memory_space<hbm>> -> memref<1x80xi32, #tpu.memory_space<hbm>>
    %dma_wait3A_65 = tpu.memref_squeeze %dma_wait3A_64 : memref<1x80xi32, #tpu.memory_space<hbm>> -> memref<80xi32, #tpu.memory_space<hbm>>
    tpu.wait_dma2 semaphore(%arg18 : memref<!tpu.dma_semaphore, #tpu.memory_space<semaphore_mem>>) src(%dma_wait3A_65 : memref<80xi32, #tpu.memory_space<hbm>>) dst(%arg6 : memref<80xi32, #tpu.memory_space<vmem>>)
    %dma_wait3A_66 = arith.constant 1 : i32
    %dma_wait3A_67 = tpu.memref_slice %arg3[%dma_wait3A_66, %add3A_61] : memref<2x320000xi32, #tpu.memory_space<hbm>> -> memref<1x80xi32, #tpu.memory_space<hbm>>
    %dma_wait3A_68 = tpu.memref_squeeze %dma_wait3A_67 : memref<1x80xi32, #tpu.memory_space<hbm>> -> memref<80xi32, #tpu.memory_space<hbm>>
    %dma_wait3A_69 = tpu.memref_slice %arg3[%dma_wait3A_66, %add3A_61] : memref<2x320000xi32, #tpu.memory_space<hbm>> -> memref<1x80xi32, #tpu.memory_space<hbm>>
    %dma_wait3A_70 = tpu.memref_squeeze %dma_wait3A_69 : memref<1x80xi32, #tpu.memory_space<hbm>> -> memref<80xi32, #tpu.memory_space<hbm>>
    tpu.wait_dma2 semaphore(%arg18 : memref<!tpu.dma_semaphore, #tpu.memory_space<semaphore_mem>>) src(%dma_wait3A_70 : memref<80xi32, #tpu.memory_space<hbm>>) dst(%arg9 : memref<80xi32, #tpu.memory_space<vmem>>)
    %dma_start3A_71 = arith.constant 0 : i32
    %dma_start3A_72 = arith.constant 0 : i32
    %dma_start3A_73 = tpu.memref_slice %arg2[%dma_start3A_71, %dma_start3A_72] : memref<10000x128xf32, #tpu.memory_space<hbm>> -> memref<10000x128xf32, #tpu.memory_space<hbm>>
    tpu.enqueue_indirect_dma source(%dma_start3A_73 : memref<10000x128xf32, #tpu.memory_space<hbm>>) target(%arg12 : memref<80x128xf32, #tpu.memory_space<vmem>>) offsets(%arg6 : memref<80xi32, #tpu.memory_space<vmem>>) semaphore(%arg21 : memref<!tpu.dma_semaphore, #tpu.memory_space<semaphore_mem>>)
    %add3A_74 = arith.constant 80 : i32
    %add3A_75 = arith.addi %mul3A_2, %add3A_74 : i32
    %dma_start3A_76 = arith.constant 0 : i32
    %dma_start3A_77 = tpu.memref_slice %arg3[%dma_start3A_76, %add3A_75] : memref<2x320000xi32, #tpu.memory_space<hbm>> -> memref<1x80xi32, #tpu.memory_space<hbm>>
    %dma_start3A_78 = tpu.memref_squeeze %dma_start3A_77 : memref<1x80xi32, #tpu.memory_space<hbm>> -> memref<80xi32, #tpu.memory_space<hbm>>
    %dma_start3A_79 = tpu.memref_slice %arg3[%dma_start3A_76, %add3A_75] : memref<2x320000xi32, #tpu.memory_space<hbm>> -> memref<1x80xi32, #tpu.memory_space<hbm>>
    %dma_start3A_80 = tpu.memref_squeeze %dma_start3A_79 : memref<1x80xi32, #tpu.memory_space<hbm>> -> memref<80xi32, #tpu.memory_space<hbm>>
    tpu.enqueue_dma source(%dma_start3A_80 : memref<80xi32, #tpu.memory_space<hbm>>) target(%arg7 : memref<80xi32, #tpu.memory_space<vmem>>) target_semaphore(%arg19 : memref<!tpu.dma_semaphore, #tpu.memory_space<semaphore_mem>>)
    %dma_start3A_81 = arith.constant 1 : i32
    %dma_start3A_82 = tpu.memref_slice %arg3[%dma_start3A_81, %add3A_75] : memref<2x320000xi32, #tpu.memory_space<hbm>> -> memref<1x80xi32, #tpu.memory_space<hbm>>
    %dma_start3A_83 = tpu.memref_squeeze %dma_start3A_82 : memref<1x80xi32, #tpu.memory_space<hbm>> -> memref<80xi32, #tpu.memory_space<hbm>>
    %dma_start3A_84 = tpu.memref_slice %arg3[%dma_start3A_81, %add3A_75] : memref<2x320000xi32, #tpu.memory_space<hbm>> -> memref<1x80xi32, #tpu.memory_space<hbm>>
    %dma_start3A_85 = tpu.memref_squeeze %dma_start3A_84 : memref<1x80xi32, #tpu.memory_space<hbm>> -> memref<80xi32, #tpu.memory_space<hbm>>
    tpu.enqueue_dma source(%dma_start3A_85 : memref<80xi32, #tpu.memory_space<hbm>>) target(%arg10 : memref<80xi32, #tpu.memory_space<vmem>>) target_semaphore(%arg19 : memref<!tpu.dma_semaphore, #tpu.memory_space<semaphore_mem>>)
    %add3A_86 = arith.constant 80 : i32
    %add3A_87 = arith.addi %mul3A_2, %add3A_86 : i32
    %dma_wait3A_88 = arith.constant 0 : i32
    %dma_wait3A_89 = tpu.memref_slice %arg3[%dma_wait3A_88, %add3A_87] : memref<2x320000xi32, #tpu.memory_space<hbm>> -> memref<1x80xi32, #tpu.memory_space<hbm>>
    %dma_wait3A_90 = tpu.memref_squeeze %dma_wait3A_89 : memref<1x80xi32, #tpu.memory_space<hbm>> -> memref<80xi32, #tpu.memory_space<hbm>>
    %dma_wait3A_91 = tpu.memref_slice %arg3[%dma_wait3A_88, %add3A_87] : memref<2x320000xi32, #tpu.memory_space<hbm>> -> memref<1x80xi32, #tpu.memory_space<hbm>>
    %dma_wait3A_92 = tpu.memref_squeeze %dma_wait3A_91 : memref<1x80xi32, #tpu.memory_space<hbm>> -> memref<80xi32, #tpu.memory_space<hbm>>
    tpu.wait_dma2 semaphore(%arg19 : memref<!tpu.dma_semaphore, #tpu.memory_space<semaphore_mem>>) src(%dma_wait3A_92 : memref<80xi32, #tpu.memory_space<hbm>>) dst(%arg7 : memref<80xi32, #tpu.memory_space<vmem>>)
    %dma_wait3A_93 = arith.constant 1 : i32
    %dma_wait3A_94 = tpu.memref_slice %arg3[%dma_wait3A_93, %add3A_87] : memref<2x320000xi32, #tpu.memory_space<hbm>> -> memref<1x80xi32, #tpu.memory_space<hbm>>
    %dma_wait3A_95 = tpu.memref_squeeze %dma_wait3A_94 : memref<1x80xi32, #tpu.memory_space<hbm>> -> memref<80xi32, #tpu.memory_space<hbm>>
    %dma_wait3A_96 = tpu.memref_slice %arg3[%dma_wait3A_93, %add3A_87] : memref<2x320000xi32, #tpu.memory_space<hbm>> -> memref<1x80xi32, #tpu.memory_space<hbm>>
    %dma_wait3A_97 = tpu.memref_squeeze %dma_wait3A_96 : memref<1x80xi32, #tpu.memory_space<hbm>> -> memref<80xi32, #tpu.memory_space<hbm>>
    tpu.wait_dma2 semaphore(%arg19 : memref<!tpu.dma_semaphore, #tpu.memory_space<semaphore_mem>>) src(%dma_wait3A_97 : memref<80xi32, #tpu.memory_space<hbm>>) dst(%arg10 : memref<80xi32, #tpu.memory_space<vmem>>)
    %dma_start3A_98 = arith.constant 0 : i32
    %dma_start3A_99 = arith.constant 0 : i32
    %dma_start3A_100 = tpu.memref_slice %arg2[%dma_start3A_98, %dma_start3A_99] : memref<10000x128xf32, #tpu.memory_space<hbm>> -> memref<10000x128xf32, #tpu.memory_space<hbm>>
    tpu.enqueue_indirect_dma source(%dma_start3A_100 : memref<10000x128xf32, #tpu.memory_space<hbm>>) target(%arg13 : memref<80x128xf32, #tpu.memory_space<vmem>>) offsets(%arg7 : memref<80xi32, #tpu.memory_space<vmem>>) semaphore(%arg22 : memref<!tpu.dma_semaphore, #tpu.memory_space<semaphore_mem>>)
    %add3A_101 = arith.constant 160 : i32
    %add3A_102 = arith.addi %mul3A_2, %add3A_101 : i32
    %dma_start3A_103 = arith.constant 0 : i32
    %dma_start3A_104 = tpu.memref_slice %arg3[%dma_start3A_103, %add3A_102] : memref<2x320000xi32, #tpu.memory_space<hbm>> -> memref<1x80xi32, #tpu.memory_space<hbm>>
    %dma_start3A_105 = tpu.memref_squeeze %dma_start3A_104 : memref<1x80xi32, #tpu.memory_space<hbm>> -> memref<80xi32, #tpu.memory_space<hbm>>
    %dma_start3A_106 = tpu.memref_slice %arg3[%dma_start3A_103, %add3A_102] : memref<2x320000xi32, #tpu.memory_space<hbm>> -> memref<1x80xi32, #tpu.memory_space<hbm>>
    %dma_start3A_107 = tpu.memref_squeeze %dma_start3A_106 : memref<1x80xi32, #tpu.memory_space<hbm>> -> memref<80xi32, #tpu.memory_space<hbm>>
    tpu.enqueue_dma source(%dma_start3A_107 : memref<80xi32, #tpu.memory_space<hbm>>) target(%arg8 : memref<80xi32, #tpu.memory_space<vmem>>) target_semaphore(%arg20 : memref<!tpu.dma_semaphore, #tpu.memory_space<semaphore_mem>>)
    %dma_start3A_108 = arith.constant 1 : i32
    %dma_start3A_109 = tpu.memref_slice %arg3[%dma_start3A_108, %add3A_102] : memref<2x320000xi32, #tpu.memory_space<hbm>> -> memref<1x80xi32, #tpu.memory_space<hbm>>
    %dma_start3A_110 = tpu.memref_squeeze %dma_start3A_109 : memref<1x80xi32, #tpu.memory_space<hbm>> -> memref<80xi32, #tpu.memory_space<hbm>>
    %dma_start3A_111 = tpu.memref_slice %arg3[%dma_start3A_108, %add3A_102] : memref<2x320000xi32, #tpu.memory_space<hbm>> -> memref<1x80xi32, #tpu.memory_space<hbm>>
    %dma_start3A_112 = tpu.memref_squeeze %dma_start3A_111 : memref<1x80xi32, #tpu.memory_space<hbm>> -> memref<80xi32, #tpu.memory_space<hbm>>
    tpu.enqueue_dma source(%dma_start3A_112 : memref<80xi32, #tpu.memory_space<hbm>>) target(%arg11 : memref<80xi32, #tpu.memory_space<vmem>>) target_semaphore(%arg20 : memref<!tpu.dma_semaphore, #tpu.memory_space<semaphore_mem>>)
    %dma_wait3A_113 = arith.constant 0 : i32
    %dma_wait3A_114 = arith.constant 0 : i32
    %dma_wait3A_115 = tpu.memref_slice %arg2[%dma_wait3A_113, %dma_wait3A_114] : memref<10000x128xf32, #tpu.memory_space<hbm>> -> memref<10000x128xf32, #tpu.memory_space<hbm>>
    tpu.wait_indirect_dma semaphore(%arg21 : memref<!tpu.dma_semaphore, #tpu.memory_space<semaphore_mem>>) src(%dma_wait3A_115 : memref<10000x128xf32, #tpu.memory_space<hbm>>) dst(%arg12 : memref<80x128xf32, #tpu.memory_space<vmem>>)
    %dma_start3A_116 = arith.constant 0 : i32
    %dma_start3A_117 = arith.constant 0 : i32
    %dma_start3A_118 = tpu.memref_slice %arg16[%dma_start3A_116, %dma_start3A_117] : memref<10112x128xf32, #tpu.memory_space<vmem_shared>> -> memref<10112x128xf32, #tpu.memory_space<vmem_shared>>
    tpu.enqueue_indirect_dma source(%arg12 : memref<80x128xf32, #tpu.memory_space<vmem>>) target(%dma_start3A_118 : memref<10112x128xf32, #tpu.memory_space<vmem_shared>>) offsets(%arg9 : memref<80xi32, #tpu.memory_space<vmem>>) semaphore(%arg24 : memref<!tpu.dma_semaphore, #tpu.memory_space<semaphore_mem>>) {add = true}
    %dma_start3A_119 = arith.constant 0 : i32
    %dma_start3A_120 = arith.constant 0 : i32
    %dma_start3A_121 = tpu.memref_slice %arg17[%dma_start3A_119, %dma_start3A_120] : memref<10112x16xf32, #tpu.memory_space<vmem_shared>> -> memref<10112x16xf32, #tpu.memory_space<vmem_shared>>
    tpu.enqueue_indirect_dma source(%arg15 : memref<80x16xf32, #tpu.memory_space<vmem>>) target(%dma_start3A_121 : memref<10112x16xf32, #tpu.memory_space<vmem_shared>>) offsets(%arg9 : memref<80xi32, #tpu.memory_space<vmem>>) semaphore(%arg24 : memref<!tpu.dma_semaphore, #tpu.memory_space<semaphore_mem>>) {add = true}
    %scan3A_122 = arith.constant 0 : i32
    %scan3A_123 = arith.constant 40 : i32
    %scan3A_124 = arith.addi %scan3A_122, %scan3A_123 : i32
    %scan3A_125 = arith.constant 1 : i32
    scf.for %scan3A_263 = %scan3A_122 to %scan3A_124 step %scan3A_125  : i32 {
      %mul3A_264 = arith.constant 1 : i32
      %mul3A_265 = arith.muli %scan3A_263, %mul3A_264 : i32
      %add3A_266 = arith.constant 0 : i32
      %add3A_267 = arith.addi %add3A_266, %mul3A_265 : i32
      %mul3A_268 = arith.constant 3 : i32
      %mul3A_269 = arith.muli %add3A_267, %mul3A_268 : i32
      %add3A_270 = arith.constant 2 : i32
      %add3A_271 = arith.addi %add3A_270, %mul3A_269 : i32
      %dma_wait3A_272 = arith.constant 0 : i32
      %dma_wait3A_273 = arith.constant 0 : i32
      %dma_wait3A_274 = tpu.memref_slice %arg16[%dma_wait3A_272, %dma_wait3A_273] : memref<10112x128xf32, #tpu.memory_space<vmem_shared>> -> memref<10112x128xf32, #tpu.memory_space<vmem_shared>>
      tpu.wait_indirect_dma semaphore(%arg24 : memref<!tpu.dma_semaphore, #tpu.memory_space<semaphore_mem>>) src(%arg12 : memref<80x128xf32, #tpu.memory_space<vmem>>) dst(%dma_wait3A_274 : memref<10112x128xf32, #tpu.memory_space<vmem_shared>>)
      %dma_wait3A_275 = arith.constant 0 : i32
      %dma_wait3A_276 = arith.constant 0 : i32
      %dma_wait3A_277 = tpu.memref_slice %arg17[%dma_wait3A_275, %dma_wait3A_276] : memref<10112x16xf32, #tpu.memory_space<vmem_shared>> -> memref<10112x16xf32, #tpu.memory_space<vmem_shared>>
      tpu.wait_indirect_dma semaphore(%arg24 : memref<!tpu.dma_semaphore, #tpu.memory_space<semaphore_mem>>) src(%arg15 : memref<80x16xf32, #tpu.memory_space<vmem>>) dst(%dma_wait3A_277 : memref<10112x16xf32, #tpu.memory_space<vmem_shared>>)
      %add3A_278 = arith.constant 1 : i32
      %add3A_279 = arith.addi %add3A_271, %add3A_278 : i32
      %mul3A_280 = arith.constant 80 : i32
      %mul3A_281 = arith.muli %add3A_279, %mul3A_280 : i32
      %add3A_282 = arith.addi %mul3A_2, %mul3A_281 : i32
      %dma_start3A_283 = arith.constant 0 : i32
      %dma_start3A_284 = tpu.memref_slice %arg3[%dma_start3A_283, %add3A_282] : memref<2x320000xi32, #tpu.memory_space<hbm>> -> memref<1x80xi32, #tpu.memory_space<hbm>>
      %dma_start3A_285 = tpu.memref_squeeze %dma_start3A_284 : memref<1x80xi32, #tpu.memory_space<hbm>> -> memref<80xi32, #tpu.memory_space<hbm>>
      %dma_start3A_286 = tpu.memref_slice %arg3[%dma_start3A_283, %add3A_282] : memref<2x320000xi32, #tpu.memory_space<hbm>> -> memref<1x80xi32, #tpu.memory_space<hbm>>
      %dma_start3A_287 = tpu.memref_squeeze %dma_start3A_286 : memref<1x80xi32, #tpu.memory_space<hbm>> -> memref<80xi32, #tpu.memory_space<hbm>>
      tpu.enqueue_dma source(%dma_start3A_287 : memref<80xi32, #tpu.memory_space<hbm>>) target(%arg6 : memref<80xi32, #tpu.memory_space<vmem>>) target_semaphore(%arg18 : memref<!tpu.dma_semaphore, #tpu.memory_space<semaphore_mem>>)
      %dma_start3A_288 = arith.constant 1 : i32
      %dma_start3A_289 = tpu.memref_slice %arg3[%dma_start3A_288, %add3A_282] : memref<2x320000xi32, #tpu.memory_space<hbm>> -> memref<1x80xi32, #tpu.memory_space<hbm>>
      %dma_start3A_290 = tpu.memref_squeeze %dma_start3A_289 : memref<1x80xi32, #tpu.memory_space<hbm>> -> memref<80xi32, #tpu.memory_space<hbm>>
      %dma_start3A_291 = tpu.memref_slice %arg3[%dma_start3A_288, %add3A_282] : memref<2x320000xi32, #tpu.memory_space<hbm>> -> memref<1x80xi32, #tpu.memory_space<hbm>>
      %dma_start3A_292 = tpu.memref_squeeze %dma_start3A_291 : memref<1x80xi32, #tpu.memory_space<hbm>> -> memref<80xi32, #tpu.memory_space<hbm>>
      tpu.enqueue_dma source(%dma_start3A_292 : memref<80xi32, #tpu.memory_space<hbm>>) target(%arg9 : memref<80xi32, #tpu.memory_space<vmem>>) target_semaphore(%arg18 : memref<!tpu.dma_semaphore, #tpu.memory_space<semaphore_mem>>)
      %mul3A_293 = arith.constant 80 : i32
      %mul3A_294 = arith.muli %add3A_271, %mul3A_293 : i32
      %add3A_295 = arith.addi %mul3A_2, %mul3A_294 : i32
      %dma_wait3A_296 = arith.constant 0 : i32
      %dma_wait3A_297 = tpu.memref_slice %arg3[%dma_wait3A_296, %add3A_295] : memref<2x320000xi32, #tpu.memory_space<hbm>> -> memref<1x80xi32, #tpu.memory_space<hbm>>
      %dma_wait3A_298 = tpu.memref_squeeze %dma_wait3A_297 : memref<1x80xi32, #tpu.memory_space<hbm>> -> memref<80xi32, #tpu.memory_space<hbm>>
      %dma_wait3A_299 = tpu.memref_slice %arg3[%dma_wait3A_296, %add3A_295] : memref<2x320000xi32, #tpu.memory_space<hbm>> -> memref<1x80xi32, #tpu.memory_space<hbm>>
      %dma_wait3A_300 = tpu.memref_squeeze %dma_wait3A_299 : memref<1x80xi32, #tpu.memory_space<hbm>> -> memref<80xi32, #tpu.memory_space<hbm>>
      tpu.wait_dma2 semaphore(%arg20 : memref<!tpu.dma_semaphore, #tpu.memory_space<semaphore_mem>>) src(%dma_wait3A_300 : memref<80xi32, #tpu.memory_space<hbm>>) dst(%arg8 : memref<80xi32, #tpu.memory_space<vmem>>)
      %dma_wait3A_301 = arith.constant 1 : i32
      %dma_wait3A_302 = tpu.memref_slice %arg3[%dma_wait3A_301, %add3A_295] : memref<2x320000xi32, #tpu.memory_space<hbm>> -> memref<1x80xi32, #tpu.memory_space<hbm>>
      %dma_wait3A_303 = tpu.memref_squeeze %dma_wait3A_302 : memref<1x80xi32, #tpu.memory_space<hbm>> -> memref<80xi32, #tpu.memory_space<hbm>>
      %dma_wait3A_304 = tpu.memref_slice %arg3[%dma_wait3A_301, %add3A_295] : memref<2x320000xi32, #tpu.memory_space<hbm>> -> memref<1x80xi32, #tpu.memory_space<hbm>>
      %dma_wait3A_305 = tpu.memref_squeeze %dma_wait3A_304 : memref<1x80xi32, #tpu.memory_space<hbm>> -> memref<80xi32, #tpu.memory_space<hbm>>
      tpu.wait_dma2 semaphore(%arg20 : memref<!tpu.dma_semaphore, #tpu.memory_space<semaphore_mem>>) src(%dma_wait3A_305 : memref<80xi32, #tpu.memory_space<hbm>>) dst(%arg11 : memref<80xi32, #tpu.memory_space<vmem>>)
      %dma_start3A_306 = arith.constant 0 : i32
      %dma_start3A_307 = arith.constant 0 : i32
      %dma_start3A_308 = tpu.memref_slice %arg2[%dma_start3A_306, %dma_start3A_307] : memref<10000x128xf32, #tpu.memory_space<hbm>> -> memref<10000x128xf32, #tpu.memory_space<hbm>>
      tpu.enqueue_indirect_dma source(%dma_start3A_308 : memref<10000x128xf32, #tpu.memory_space<hbm>>) target(%arg14 : memref<80x128xf32, #tpu.memory_space<vmem>>) offsets(%arg8 : memref<80xi32, #tpu.memory_space<vmem>>) semaphore(%arg23 : memref<!tpu.dma_semaphore, #tpu.memory_space<semaphore_mem>>)
      %dma_wait3A_309 = arith.constant 0 : i32
      %dma_wait3A_310 = arith.constant 0 : i32
      %dma_wait3A_311 = tpu.memref_slice %arg2[%dma_wait3A_309, %dma_wait3A_310] : memref<10000x128xf32, #tpu.memory_space<hbm>> -> memref<10000x128xf32, #tpu.memory_space<hbm>>
      tpu.wait_indirect_dma semaphore(%arg22 : memref<!tpu.dma_semaphore, #tpu.memory_space<semaphore_mem>>) src(%dma_wait3A_311 : memref<10000x128xf32, #tpu.memory_space<hbm>>) dst(%arg13 : memref<80x128xf32, #tpu.memory_space<vmem>>)
      %dma_start3A_312 = arith.constant 0 : i32
      %dma_start3A_313 = arith.constant 0 : i32
      %dma_start3A_314 = tpu.memref_slice %arg16[%dma_start3A_312, %dma_start3A_313] : memref<10112x128xf32, #tpu.memory_space<vmem_shared>> -> memref<10112x128xf32, #tpu.memory_space<vmem_shared>>
      tpu.enqueue_indirect_dma source(%arg13 : memref<80x128xf32, #tpu.memory_space<vmem>>) target(%dma_start3A_314 : memref<10112x128xf32, #tpu.memory_space<vmem_shared>>) offsets(%arg10 : memref<80xi32, #tpu.memory_space<vmem>>) semaphore(%arg25 : memref<!tpu.dma_semaphore, #tpu.memory_space<semaphore_mem>>) {add = true}
      %dma_start3A_315 = arith.constant 0 : i32
      %dma_start3A_316 = arith.constant 0 : i32
      %dma_start3A_317 = tpu.memref_slice %arg17[%dma_start3A_315, %dma_start3A_316] : memref<10112x16xf32, #tpu.memory_space<vmem_shared>> -> memref<10112x16xf32, #tpu.memory_space<vmem_shared>>
      tpu.enqueue_indirect_dma source(%arg15 : memref<80x16xf32, #tpu.memory_space<vmem>>) target(%dma_start3A_317 : memref<10112x16xf32, #tpu.memory_space<vmem_shared>>) offsets(%arg10 : memref<80xi32, #tpu.memory_space<vmem>>) semaphore(%arg25 : memref<!tpu.dma_semaphore, #tpu.memory_space<semaphore_mem>>) {add = true}
      %add3A_318 = arith.constant 1 : i32
      %add3A_319 = arith.addi %add3A_271, %add3A_318 : i32
      %dma_wait3A_320 = arith.constant 0 : i32
      %dma_wait3A_321 = arith.constant 0 : i32
      %dma_wait3A_322 = tpu.memref_slice %arg16[%dma_wait3A_320, %dma_wait3A_321] : memref<10112x128xf32, #tpu.memory_space<vmem_shared>> -> memref<10112x128xf32, #tpu.memory_space<vmem_shared>>
      tpu.wait_indirect_dma semaphore(%arg25 : memref<!tpu.dma_semaphore, #tpu.memory_space<semaphore_mem>>) src(%arg13 : memref<80x128xf32, #tpu.memory_space<vmem>>) dst(%dma_wait3A_322 : memref<10112x128xf32, #tpu.memory_space<vmem_shared>>)
      %dma_wait3A_323 = arith.constant 0 : i32
      %dma_wait3A_324 = arith.constant 0 : i32
      %dma_wait3A_325 = tpu.memref_slice %arg17[%dma_wait3A_323, %dma_wait3A_324] : memref<10112x16xf32, #tpu.memory_space<vmem_shared>> -> memref<10112x16xf32, #tpu.memory_space<vmem_shared>>
      tpu.wait_indirect_dma semaphore(%arg25 : memref<!tpu.dma_semaphore, #tpu.memory_space<semaphore_mem>>) src(%arg15 : memref<80x16xf32, #tpu.memory_space<vmem>>) dst(%dma_wait3A_325 : memref<10112x16xf32, #tpu.memory_space<vmem_shared>>)
      %add3A_326 = arith.constant 1 : i32
      %add3A_327 = arith.addi %add3A_319, %add3A_326 : i32
      %mul3A_328 = arith.constant 80 : i32
      %mul3A_329 = arith.muli %add3A_327, %mul3A_328 : i32
      %add3A_330 = arith.addi %mul3A_2, %mul3A_329 : i32
      %dma_start3A_331 = arith.constant 0 : i32
      %dma_start3A_332 = tpu.memref_slice %arg3[%dma_start3A_331, %add3A_330] : memref<2x320000xi32, #tpu.memory_space<hbm>> -> memref<1x80xi32, #tpu.memory_space<hbm>>
      %dma_start3A_333 = tpu.memref_squeeze %dma_start3A_332 : memref<1x80xi32, #tpu.memory_space<hbm>> -> memref<80xi32, #tpu.memory_space<hbm>>
      %dma_start3A_334 = tpu.memref_slice %arg3[%dma_start3A_331, %add3A_330] : memref<2x320000xi32, #tpu.memory_space<hbm>> -> memref<1x80xi32, #tpu.memory_space<hbm>>
      %dma_start3A_335 = tpu.memref_squeeze %dma_start3A_334 : memref<1x80xi32, #tpu.memory_space<hbm>> -> memref<80xi32, #tpu.memory_space<hbm>>
      tpu.enqueue_dma source(%dma_start3A_335 : memref<80xi32, #tpu.memory_space<hbm>>) target(%arg7 : memref<80xi32, #tpu.memory_space<vmem>>) target_semaphore(%arg19 : memref<!tpu.dma_semaphore, #tpu.memory_space<semaphore_mem>>)
      %dma_start3A_336 = arith.constant 1 : i32
      %dma_start3A_337 = tpu.memref_slice %arg3[%dma_start3A_336, %add3A_330] : memref<2x320000xi32, #tpu.memory_space<hbm>> -> memref<1x80xi32, #tpu.memory_space<hbm>>
      %dma_start3A_338 = tpu.memref_squeeze %dma_start3A_337 : memref<1x80xi32, #tpu.memory_space<hbm>> -> memref<80xi32, #tpu.memory_space<hbm>>
      %dma_start3A_339 = tpu.memref_slice %arg3[%dma_start3A_336, %add3A_330] : memref<2x320000xi32, #tpu.memory_space<hbm>> -> memref<1x80xi32, #tpu.memory_space<hbm>>
      %dma_start3A_340 = tpu.memref_squeeze %dma_start3A_339 : memref<1x80xi32, #tpu.memory_space<hbm>> -> memref<80xi32, #tpu.memory_space<hbm>>
      tpu.enqueue_dma source(%dma_start3A_340 : memref<80xi32, #tpu.memory_space<hbm>>) target(%arg10 : memref<80xi32, #tpu.memory_space<vmem>>) target_semaphore(%arg19 : memref<!tpu.dma_semaphore, #tpu.memory_space<semaphore_mem>>)
      %mul3A_341 = arith.constant 80 : i32
      %mul3A_342 = arith.muli %add3A_319, %mul3A_341 : i32
      %add3A_343 = arith.addi %mul3A_2, %mul3A_342 : i32
      %dma_wait3A_344 = arith.constant 0 : i32
      %dma_wait3A_345 = tpu.memref_slice %arg3[%dma_wait3A_344, %add3A_343] : memref<2x320000xi32, #tpu.memory_space<hbm>> -> memref<1x80xi32, #tpu.memory_space<hbm>>
      %dma_wait3A_346 = tpu.memref_squeeze %dma_wait3A_345 : memref<1x80xi32, #tpu.memory_space<hbm>> -> memref<80xi32, #tpu.memory_space<hbm>>
      %dma_wait3A_347 = tpu.memref_slice %arg3[%dma_wait3A_344, %add3A_343] : memref<2x320000xi32, #tpu.memory_space<hbm>> -> memref<1x80xi32, #tpu.memory_space<hbm>>
      %dma_wait3A_348 = tpu.memref_squeeze %dma_wait3A_347 : memref<1x80xi32, #tpu.memory_space<hbm>> -> memref<80xi32, #tpu.memory_space<hbm>>
      tpu.wait_dma2 semaphore(%arg18 : memref<!tpu.dma_semaphore, #tpu.memory_space<semaphore_mem>>) src(%dma_wait3A_348 : memref<80xi32, #tpu.memory_space<hbm>>) dst(%arg6 : memref<80xi32, #tpu.memory_space<vmem>>)
      %dma_wait3A_349 = arith.constant 1 : i32
      %dma_wait3A_350 = tpu.memref_slice %arg3[%dma_wait3A_349, %add3A_343] : memref<2x320000xi32, #tpu.memory_space<hbm>> -> memref<1x80xi32, #tpu.memory_space<hbm>>
      %dma_wait3A_351 = tpu.memref_squeeze %dma_wait3A_350 : memref<1x80xi32, #tpu.memory_space<hbm>> -> memref<80xi32, #tpu.memory_space<hbm>>
      %dma_wait3A_352 = tpu.memref_slice %arg3[%dma_wait3A_349, %add3A_343] : memref<2x320000xi32, #tpu.memory_space<hbm>> -> memref<1x80xi32, #tpu.memory_space<hbm>>
      %dma_wait3A_353 = tpu.memref_squeeze %dma_wait3A_352 : memref<1x80xi32, #tpu.memory_space<hbm>> -> memref<80xi32, #tpu.memory_space<hbm>>
      tpu.wait_dma2 semaphore(%arg18 : memref<!tpu.dma_semaphore, #tpu.memory_space<semaphore_mem>>) src(%dma_wait3A_353 : memref<80xi32, #tpu.memory_space<hbm>>) dst(%arg9 : memref<80xi32, #tpu.memory_space<vmem>>)
      %dma_start3A_354 = arith.constant 0 : i32
      %dma_start3A_355 = arith.constant 0 : i32
      %dma_start3A_356 = tpu.memref_slice %arg2[%dma_start3A_354, %dma_start3A_355] : memref<10000x128xf32, #tpu.memory_space<hbm>> -> memref<10000x128xf32, #tpu.memory_space<hbm>>
      tpu.enqueue_indirect_dma source(%dma_start3A_356 : memref<10000x128xf32, #tpu.memory_space<hbm>>) target(%arg12 : memref<80x128xf32, #tpu.memory_space<vmem>>) offsets(%arg6 : memref<80xi32, #tpu.memory_space<vmem>>) semaphore(%arg21 : memref<!tpu.dma_semaphore, #tpu.memory_space<semaphore_mem>>)
      %dma_wait3A_357 = arith.constant 0 : i32
      %dma_wait3A_358 = arith.constant 0 : i32
      %dma_wait3A_359 = tpu.memref_slice %arg2[%dma_wait3A_357, %dma_wait3A_358] : memref<10000x128xf32, #tpu.memory_space<hbm>> -> memref<10000x128xf32, #tpu.memory_space<hbm>>
      tpu.wait_indirect_dma semaphore(%arg23 : memref<!tpu.dma_semaphore, #tpu.memory_space<semaphore_mem>>) src(%dma_wait3A_359 : memref<10000x128xf32, #tpu.memory_space<hbm>>) dst(%arg14 : memref<80x128xf32, #tpu.memory_space<vmem>>)
      %dma_start3A_360 = arith.constant 0 : i32
      %dma_start3A_361 = arith.constant 0 : i32
      %dma_start3A_362 = tpu.memref_slice %arg16[%dma_start3A_360, %dma_start3A_361] : memref<10112x128xf32, #tpu.memory_space<vmem_shared>> -> memref<10112x128xf32, #tpu.memory_space<vmem_shared>>
      tpu.enqueue_indirect_dma source(%arg14 : memref<80x128xf32, #tpu.memory_space<vmem>>) target(%dma_start3A_362 : memref<10112x128xf32, #tpu.memory_space<vmem_shared>>) offsets(%arg11 : memref<80xi32, #tpu.memory_space<vmem>>) semaphore(%arg26 : memref<!tpu.dma_semaphore, #tpu.memory_space<semaphore_mem>>) {add = true}
      %dma_start3A_363 = arith.constant 0 : i32
      %dma_start3A_364 = arith.constant 0 : i32
      %dma_start3A_365 = tpu.memref_slice %arg17[%dma_start3A_363, %dma_start3A_364] : memref<10112x16xf32, #tpu.memory_space<vmem_shared>> -> memref<10112x16xf32, #tpu.memory_space<vmem_shared>>
      tpu.enqueue_indirect_dma source(%arg15 : memref<80x16xf32, #tpu.memory_space<vmem>>) target(%dma_start3A_365 : memref<10112x16xf32, #tpu.memory_space<vmem_shared>>) offsets(%arg11 : memref<80xi32, #tpu.memory_space<vmem>>) semaphore(%arg26 : memref<!tpu.dma_semaphore, #tpu.memory_space<semaphore_mem>>) {add = true}
      %add3A_366 = arith.constant 2 : i32
      %add3A_367 = arith.addi %add3A_271, %add3A_366 : i32
      %dma_wait3A_368 = arith.constant 0 : i32
      %dma_wait3A_369 = arith.constant 0 : i32
      %dma_wait3A_370 = tpu.memref_slice %arg16[%dma_wait3A_368, %dma_wait3A_369] : memref<10112x128xf32, #tpu.memory_space<vmem_shared>> -> memref<10112x128xf32, #tpu.memory_space<vmem_shared>>
      tpu.wait_indirect_dma semaphore(%arg26 : memref<!tpu.dma_semaphore, #tpu.memory_space<semaphore_mem>>) src(%arg14 : memref<80x128xf32, #tpu.memory_space<vmem>>) dst(%dma_wait3A_370 : memref<10112x128xf32, #tpu.memory_space<vmem_shared>>)
      %dma_wait3A_371 = arith.constant 0 : i32
      %dma_wait3A_372 = arith.constant 0 : i32
      %dma_wait3A_373 = tpu.memref_slice %arg17[%dma_wait3A_371, %dma_wait3A_372] : memref<10112x16xf32, #tpu.memory_space<vmem_shared>> -> memref<10112x16xf32, #tpu.memory_space<vmem_shared>>
      tpu.wait_indirect_dma semaphore(%arg26 : memref<!tpu.dma_semaphore, #tpu.memory_space<semaphore_mem>>) src(%arg15 : memref<80x16xf32, #tpu.memory_space<vmem>>) dst(%dma_wait3A_373 : memref<10112x16xf32, #tpu.memory_space<vmem_shared>>)
      %add3A_374 = arith.constant 1 : i32
      %add3A_375 = arith.addi %add3A_367, %add3A_374 : i32
      %mul3A_376 = arith.constant 80 : i32
      %mul3A_377 = arith.muli %add3A_375, %mul3A_376 : i32
      %add3A_378 = arith.addi %mul3A_2, %mul3A_377 : i32
      %dma_start3A_379 = arith.constant 0 : i32
      %dma_start3A_380 = tpu.memref_slice %arg3[%dma_start3A_379, %add3A_378] : memref<2x320000xi32, #tpu.memory_space<hbm>> -> memref<1x80xi32, #tpu.memory_space<hbm>>
      %dma_start3A_381 = tpu.memref_squeeze %dma_start3A_380 : memref<1x80xi32, #tpu.memory_space<hbm>> -> memref<80xi32, #tpu.memory_space<hbm>>
      %dma_start3A_382 = tpu.memref_slice %arg3[%dma_start3A_379, %add3A_378] : memref<2x320000xi32, #tpu.memory_space<hbm>> -> memref<1x80xi32, #tpu.memory_space<hbm>>
      %dma_start3A_383 = tpu.memref_squeeze %dma_start3A_382 : memref<1x80xi32, #tpu.memory_space<hbm>> -> memref<80xi32, #tpu.memory_space<hbm>>
      tpu.enqueue_dma source(%dma_start3A_383 : memref<80xi32, #tpu.memory_space<hbm>>) target(%arg8 : memref<80xi32, #tpu.memory_space<vmem>>) target_semaphore(%arg20 : memref<!tpu.dma_semaphore, #tpu.memory_space<semaphore_mem>>)
      %dma_start3A_384 = arith.constant 1 : i32
      %dma_start3A_385 = tpu.memref_slice %arg3[%dma_start3A_384, %add3A_378] : memref<2x320000xi32, #tpu.memory_space<hbm>> -> memref<1x80xi32, #tpu.memory_space<hbm>>
      %dma_start3A_386 = tpu.memref_squeeze %dma_start3A_385 : memref<1x80xi32, #tpu.memory_space<hbm>> -> memref<80xi32, #tpu.memory_space<hbm>>
      %dma_start3A_387 = tpu.memref_slice %arg3[%dma_start3A_384, %add3A_378] : memref<2x320000xi32, #tpu.memory_space<hbm>> -> memref<1x80xi32, #tpu.memory_space<hbm>>
      %dma_start3A_388 = tpu.memref_squeeze %dma_start3A_387 : memref<1x80xi32, #tpu.memory_space<hbm>> -> memref<80xi32, #tpu.memory_space<hbm>>
      tpu.enqueue_dma source(%dma_start3A_388 : memref<80xi32, #tpu.memory_space<hbm>>) target(%arg11 : memref<80xi32, #tpu.memory_space<vmem>>) target_semaphore(%arg20 : memref<!tpu.dma_semaphore, #tpu.memory_space<semaphore_mem>>)
      %mul3A_389 = arith.constant 80 : i32
      %mul3A_390 = arith.muli %add3A_367, %mul3A_389 : i32
      %add3A_391 = arith.addi %mul3A_2, %mul3A_390 : i32
      %dma_wait3A_392 = arith.constant 0 : i32
      %dma_wait3A_393 = tpu.memref_slice %arg3[%dma_wait3A_392, %add3A_391] : memref<2x320000xi32, #tpu.memory_space<hbm>> -> memref<1x80xi32, #tpu.memory_space<hbm>>
      %dma_wait3A_394 = tpu.memref_squeeze %dma_wait3A_393 : memref<1x80xi32, #tpu.memory_space<hbm>> -> memref<80xi32, #tpu.memory_space<hbm>>
      %dma_wait3A_395 = tpu.memref_slice %arg3[%dma_wait3A_392, %add3A_391] : memref<2x320000xi32, #tpu.memory_space<hbm>> -> memref<1x80xi32, #tpu.memory_space<hbm>>
      %dma_wait3A_396 = tpu.memref_squeeze %dma_wait3A_395 : memref<1x80xi32, #tpu.memory_space<hbm>> -> memref<80xi32, #tpu.memory_space<hbm>>
      tpu.wait_dma2 semaphore(%arg19 : memref<!tpu.dma_semaphore, #tpu.memory_space<semaphore_mem>>) src(%dma_wait3A_396 : memref<80xi32, #tpu.memory_space<hbm>>) dst(%arg7 : memref<80xi32, #tpu.memory_space<vmem>>)
      %dma_wait3A_397 = arith.constant 1 : i32
      %dma_wait3A_398 = tpu.memref_slice %arg3[%dma_wait3A_397, %add3A_391] : memref<2x320000xi32, #tpu.memory_space<hbm>> -> memref<1x80xi32, #tpu.memory_space<hbm>>
      %dma_wait3A_399 = tpu.memref_squeeze %dma_wait3A_398 : memref<1x80xi32, #tpu.memory_space<hbm>> -> memref<80xi32, #tpu.memory_space<hbm>>
      %dma_wait3A_400 = tpu.memref_slice %arg3[%dma_wait3A_397, %add3A_391] : memref<2x320000xi32, #tpu.memory_space<hbm>> -> memref<1x80xi32, #tpu.memory_space<hbm>>
      %dma_wait3A_401 = tpu.memref_squeeze %dma_wait3A_400 : memref<1x80xi32, #tpu.memory_space<hbm>> -> memref<80xi32, #tpu.memory_space<hbm>>
      tpu.wait_dma2 semaphore(%arg19 : memref<!tpu.dma_semaphore, #tpu.memory_space<semaphore_mem>>) src(%dma_wait3A_401 : memref<80xi32, #tpu.memory_space<hbm>>) dst(%arg10 : memref<80xi32, #tpu.memory_space<vmem>>)
      %dma_start3A_402 = arith.constant 0 : i32
      %dma_start3A_403 = arith.constant 0 : i32
      %dma_start3A_404 = tpu.memref_slice %arg2[%dma_start3A_402, %dma_start3A_403] : memref<10000x128xf32, #tpu.memory_space<hbm>> -> memref<10000x128xf32, #tpu.memory_space<hbm>>
      tpu.enqueue_indirect_dma source(%dma_start3A_404 : memref<10000x128xf32, #tpu.memory_space<hbm>>) target(%arg13 : memref<80x128xf32, #tpu.memory_space<vmem>>) offsets(%arg7 : memref<80xi32, #tpu.memory_space<vmem>>) semaphore(%arg22 : memref<!tpu.dma_semaphore, #tpu.memory_space<semaphore_mem>>)
      %dma_wait3A_405 = arith.constant 0 : i32
      %dma_wait3A_406 = arith.constant 0 : i32
      %dma_wait3A_407 = tpu.memref_slice %arg2[%dma_wait3A_405, %dma_wait3A_406] : memref<10000x128xf32, #tpu.memory_space<hbm>> -> memref<10000x128xf32, #tpu.memory_space<hbm>>
      tpu.wait_indirect_dma semaphore(%arg21 : memref<!tpu.dma_semaphore, #tpu.memory_space<semaphore_mem>>) src(%dma_wait3A_407 : memref<10000x128xf32, #tpu.memory_space<hbm>>) dst(%arg12 : memref<80x128xf32, #tpu.memory_space<vmem>>)
      %dma_start3A_408 = arith.constant 0 : i32
      %dma_start3A_409 = arith.constant 0 : i32
      %dma_start3A_410 = tpu.memref_slice %arg16[%dma_start3A_408, %dma_start3A_409] : memref<10112x128xf32, #tpu.memory_space<vmem_shared>> -> memref<10112x128xf32, #tpu.memory_space<vmem_shared>>
      tpu.enqueue_indirect_dma source(%arg12 : memref<80x128xf32, #tpu.memory_space<vmem>>) target(%dma_start3A_410 : memref<10112x128xf32, #tpu.memory_space<vmem_shared>>) offsets(%arg9 : memref<80xi32, #tpu.memory_space<vmem>>) semaphore(%arg24 : memref<!tpu.dma_semaphore, #tpu.memory_space<semaphore_mem>>) {add = true}
      %dma_start3A_411 = arith.constant 0 : i32
      %dma_start3A_412 = arith.constant 0 : i32
      %dma_start3A_413 = tpu.memref_slice %arg17[%dma_start3A_411, %dma_start3A_412] : memref<10112x16xf32, #tpu.memory_space<vmem_shared>> -> memref<10112x16xf32, #tpu.memory_space<vmem_shared>>
      tpu.enqueue_indirect_dma source(%arg15 : memref<80x16xf32, #tpu.memory_space<vmem>>) target(%dma_start3A_413 : memref<10112x16xf32, #tpu.memory_space<vmem_shared>>) offsets(%arg9 : memref<80xi32, #tpu.memory_space<vmem>>) semaphore(%arg24 : memref<!tpu.dma_semaphore, #tpu.memory_space<semaphore_mem>>) {add = true}
    }
    %scan3A_126 = arith.constant 40 : i32
    %dma_wait3A_127 = arith.constant 0 : i32
    %dma_wait3A_128 = arith.constant 0 : i32
    %dma_wait3A_129 = tpu.memref_slice %arg16[%dma_wait3A_127, %dma_wait3A_128] : memref<10112x128xf32, #tpu.memory_space<vmem_shared>> -> memref<10112x128xf32, #tpu.memory_space<vmem_shared>>
    tpu.wait_indirect_dma semaphore(%arg24 : memref<!tpu.dma_semaphore, #tpu.memory_space<semaphore_mem>>) src(%arg12 : memref<80x128xf32, #tpu.memory_space<vmem>>) dst(%dma_wait3A_129 : memref<10112x128xf32, #tpu.memory_space<vmem_shared>>)
    %dma_wait3A_130 = arith.constant 0 : i32
    %dma_wait3A_131 = arith.constant 0 : i32
    %dma_wait3A_132 = tpu.memref_slice %arg17[%dma_wait3A_130, %dma_wait3A_131] : memref<10112x16xf32, #tpu.memory_space<vmem_shared>> -> memref<10112x16xf32, #tpu.memory_space<vmem_shared>>
    tpu.wait_indirect_dma semaphore(%arg24 : memref<!tpu.dma_semaphore, #tpu.memory_space<semaphore_mem>>) src(%arg15 : memref<80x16xf32, #tpu.memory_space<vmem>>) dst(%dma_wait3A_132 : memref<10112x16xf32, #tpu.memory_space<vmem_shared>>)
    %add3A_133 = arith.constant 9840 : i32
    %add3A_134 = arith.addi %mul3A_2, %add3A_133 : i32
    %dma_start3A_135 = arith.constant 0 : i32
    %dma_start3A_136 = tpu.memref_slice %arg3[%dma_start3A_135, %add3A_134] : memref<2x320000xi32, #tpu.memory_space<hbm>> -> memref<1x80xi32, #tpu.memory_space<hbm>>
    %dma_start3A_137 = tpu.memref_squeeze %dma_start3A_136 : memref<1x80xi32, #tpu.memory_space<hbm>> -> memref<80xi32, #tpu.memory_space<hbm>>
    %dma_start3A_138 = tpu.memref_slice %arg3[%dma_start3A_135, %add3A_134] : memref<2x320000xi32, #tpu.memory_space<hbm>> -> memref<1x80xi32, #tpu.memory_space<hbm>>
    %dma_start3A_139 = tpu.memref_squeeze %dma_start3A_138 : memref<1x80xi32, #tpu.memory_space<hbm>> -> memref<80xi32, #tpu.memory_space<hbm>>
    tpu.enqueue_dma source(%dma_start3A_139 : memref<80xi32, #tpu.memory_space<hbm>>) target(%arg6 : memref<80xi32, #tpu.memory_space<vmem>>) target_semaphore(%arg18 : memref<!tpu.dma_semaphore, #tpu.memory_space<semaphore_mem>>)
    %dma_start3A_140 = arith.constant 1 : i32
    %dma_start3A_141 = tpu.memref_slice %arg3[%dma_start3A_140, %add3A_134] : memref<2x320000xi32, #tpu.memory_space<hbm>> -> memref<1x80xi32, #tpu.memory_space<hbm>>
    %dma_start3A_142 = tpu.memref_squeeze %dma_start3A_141 : memref<1x80xi32, #tpu.memory_space<hbm>> -> memref<80xi32, #tpu.memory_space<hbm>>
    %dma_start3A_143 = tpu.memref_slice %arg3[%dma_start3A_140, %add3A_134] : memref<2x320000xi32, #tpu.memory_space<hbm>> -> memref<1x80xi32, #tpu.memory_space<hbm>>
    %dma_start3A_144 = tpu.memref_squeeze %dma_start3A_143 : memref<1x80xi32, #tpu.memory_space<hbm>> -> memref<80xi32, #tpu.memory_space<hbm>>
    tpu.enqueue_dma source(%dma_start3A_144 : memref<80xi32, #tpu.memory_space<hbm>>) target(%arg9 : memref<80xi32, #tpu.memory_space<vmem>>) target_semaphore(%arg18 : memref<!tpu.dma_semaphore, #tpu.memory_space<semaphore_mem>>)
    %add3A_145 = arith.constant 9760 : i32
    %add3A_146 = arith.addi %mul3A_2, %add3A_145 : i32
    %dma_wait3A_147 = arith.constant 0 : i32
    %dma_wait3A_148 = tpu.memref_slice %arg3[%dma_wait3A_147, %add3A_146] : memref<2x320000xi32, #tpu.memory_space<hbm>> -> memref<1x80xi32, #tpu.memory_space<hbm>>
    %dma_wait3A_149 = tpu.memref_squeeze %dma_wait3A_148 : memref<1x80xi32, #tpu.memory_space<hbm>> -> memref<80xi32, #tpu.memory_space<hbm>>
    %dma_wait3A_150 = tpu.memref_slice %arg3[%dma_wait3A_147, %add3A_146] : memref<2x320000xi32, #tpu.memory_space<hbm>> -> memref<1x80xi32, #tpu.memory_space<hbm>>
    %dma_wait3A_151 = tpu.memref_squeeze %dma_wait3A_150 : memref<1x80xi32, #tpu.memory_space<hbm>> -> memref<80xi32, #tpu.memory_space<hbm>>
    tpu.wait_dma2 semaphore(%arg20 : memref<!tpu.dma_semaphore, #tpu.memory_space<semaphore_mem>>) src(%dma_wait3A_151 : memref<80xi32, #tpu.memory_space<hbm>>) dst(%arg8 : memref<80xi32, #tpu.memory_space<vmem>>)
    %dma_wait3A_152 = arith.constant 1 : i32
    %dma_wait3A_153 = tpu.memref_slice %arg3[%dma_wait3A_152, %add3A_146] : memref<2x320000xi32, #tpu.memory_space<hbm>> -> memref<1x80xi32, #tpu.memory_space<hbm>>
    %dma_wait3A_154 = tpu.memref_squeeze %dma_wait3A_153 : memref<1x80xi32, #tpu.memory_space<hbm>> -> memref<80xi32, #tpu.memory_space<hbm>>
    %dma_wait3A_155 = tpu.memref_slice %arg3[%dma_wait3A_152, %add3A_146] : memref<2x320000xi32, #tpu.memory_space<hbm>> -> memref<1x80xi32, #tpu.memory_space<hbm>>
    %dma_wait3A_156 = tpu.memref_squeeze %dma_wait3A_155 : memref<1x80xi32, #tpu.memory_space<hbm>> -> memref<80xi32, #tpu.memory_space<hbm>>
    tpu.wait_dma2 semaphore(%arg20 : memref<!tpu.dma_semaphore, #tpu.memory_space<semaphore_mem>>) src(%dma_wait3A_156 : memref<80xi32, #tpu.memory_space<hbm>>) dst(%arg11 : memref<80xi32, #tpu.memory_space<vmem>>)
    %dma_start3A_157 = arith.constant 0 : i32
    %dma_start3A_158 = arith.constant 0 : i32
    %dma_start3A_159 = tpu.memref_slice %arg2[%dma_start3A_157, %dma_start3A_158] : memref<10000x128xf32, #tpu.memory_space<hbm>> -> memref<10000x128xf32, #tpu.memory_space<hbm>>
    tpu.enqueue_indirect_dma source(%dma_start3A_159 : memref<10000x128xf32, #tpu.memory_space<hbm>>) target(%arg14 : memref<80x128xf32, #tpu.memory_space<vmem>>) offsets(%arg8 : memref<80xi32, #tpu.memory_space<vmem>>) semaphore(%arg23 : memref<!tpu.dma_semaphore, #tpu.memory_space<semaphore_mem>>)
    %dma_wait3A_160 = arith.constant 0 : i32
    %dma_wait3A_161 = arith.constant 0 : i32
    %dma_wait3A_162 = tpu.memref_slice %arg2[%dma_wait3A_160, %dma_wait3A_161] : memref<10000x128xf32, #tpu.memory_space<hbm>> -> memref<10000x128xf32, #tpu.memory_space<hbm>>
    tpu.wait_indirect_dma semaphore(%arg22 : memref<!tpu.dma_semaphore, #tpu.memory_space<semaphore_mem>>) src(%dma_wait3A_162 : memref<10000x128xf32, #tpu.memory_space<hbm>>) dst(%arg13 : memref<80x128xf32, #tpu.memory_space<vmem>>)
    %dma_start3A_163 = arith.constant 0 : i32
    %dma_start3A_164 = arith.constant 0 : i32
    %dma_start3A_165 = tpu.memref_slice %arg16[%dma_start3A_163, %dma_start3A_164] : memref<10112x128xf32, #tpu.memory_space<vmem_shared>> -> memref<10112x128xf32, #tpu.memory_space<vmem_shared>>
    tpu.enqueue_indirect_dma source(%arg13 : memref<80x128xf32, #tpu.memory_space<vmem>>) target(%dma_start3A_165 : memref<10112x128xf32, #tpu.memory_space<vmem_shared>>) offsets(%arg10 : memref<80xi32, #tpu.memory_space<vmem>>) semaphore(%arg25 : memref<!tpu.dma_semaphore, #tpu.memory_space<semaphore_mem>>) {add = true}
    %dma_start3A_166 = arith.constant 0 : i32
    %dma_start3A_167 = arith.constant 0 : i32
    %dma_start3A_168 = tpu.memref_slice %arg17[%dma_start3A_166, %dma_start3A_167] : memref<10112x16xf32, #tpu.memory_space<vmem_shared>> -> memref<10112x16xf32, #tpu.memory_space<vmem_shared>>
    tpu.enqueue_indirect_dma source(%arg15 : memref<80x16xf32, #tpu.memory_space<vmem>>) target(%dma_start3A_168 : memref<10112x16xf32, #tpu.memory_space<vmem_shared>>) offsets(%arg10 : memref<80xi32, #tpu.memory_space<vmem>>) semaphore(%arg25 : memref<!tpu.dma_semaphore, #tpu.memory_space<semaphore_mem>>) {add = true}
    %dma_wait3A_169 = arith.constant 0 : i32
    %dma_wait3A_170 = arith.constant 0 : i32
    %dma_wait3A_171 = tpu.memref_slice %arg16[%dma_wait3A_169, %dma_wait3A_170] : memref<10112x128xf32, #tpu.memory_space<vmem_shared>> -> memref<10112x128xf32, #tpu.memory_space<vmem_shared>>
    tpu.wait_indirect_dma semaphore(%arg25 : memref<!tpu.dma_semaphore, #tpu.memory_space<semaphore_mem>>) src(%arg13 : memref<80x128xf32, #tpu.memory_space<vmem>>) dst(%dma_wait3A_171 : memref<10112x128xf32, #tpu.memory_space<vmem_shared>>)
    %dma_wait3A_172 = arith.constant 0 : i32
    %dma_wait3A_173 = arith.constant 0 : i32
    %dma_wait3A_174 = tpu.memref_slice %arg17[%dma_wait3A_172, %dma_wait3A_173] : memref<10112x16xf32, #tpu.memory_space<vmem_shared>> -> memref<10112x16xf32, #tpu.memory_space<vmem_shared>>
    tpu.wait_indirect_dma semaphore(%arg25 : memref<!tpu.dma_semaphore, #tpu.memory_space<semaphore_mem>>) src(%arg15 : memref<80x16xf32, #tpu.memory_space<vmem>>) dst(%dma_wait3A_174 : memref<10112x16xf32, #tpu.memory_space<vmem_shared>>)
    %add3A_175 = arith.constant 9920 : i32
    %add3A_176 = arith.addi %mul3A_2, %add3A_175 : i32
    %dma_start3A_177 = arith.constant 0 : i32
    %dma_start3A_178 = tpu.memref_slice %arg3[%dma_start3A_177, %add3A_176] : memref<2x320000xi32, #tpu.memory_space<hbm>> -> memref<1x80xi32, #tpu.memory_space<hbm>>
    %dma_start3A_179 = tpu.memref_squeeze %dma_start3A_178 : memref<1x80xi32, #tpu.memory_space<hbm>> -> memref<80xi32, #tpu.memory_space<hbm>>
    %dma_start3A_180 = tpu.memref_slice %arg3[%dma_start3A_177, %add3A_176] : memref<2x320000xi32, #tpu.memory_space<hbm>> -> memref<1x80xi32, #tpu.memory_space<hbm>>
    %dma_start3A_181 = tpu.memref_squeeze %dma_start3A_180 : memref<1x80xi32, #tpu.memory_space<hbm>> -> memref<80xi32, #tpu.memory_space<hbm>>
    tpu.enqueue_dma source(%dma_start3A_181 : memref<80xi32, #tpu.memory_space<hbm>>) target(%arg7 : memref<80xi32, #tpu.memory_space<vmem>>) target_semaphore(%arg19 : memref<!tpu.dma_semaphore, #tpu.memory_space<semaphore_mem>>)
    %dma_start3A_182 = arith.constant 1 : i32
    %dma_start3A_183 = tpu.memref_slice %arg3[%dma_start3A_182, %add3A_176] : memref<2x320000xi32, #tpu.memory_space<hbm>> -> memref<1x80xi32, #tpu.memory_space<hbm>>
    %dma_start3A_184 = tpu.memref_squeeze %dma_start3A_183 : memref<1x80xi32, #tpu.memory_space<hbm>> -> memref<80xi32, #tpu.memory_space<hbm>>
    %dma_start3A_185 = tpu.memref_slice %arg3[%dma_start3A_182, %add3A_176] : memref<2x320000xi32, #tpu.memory_space<hbm>> -> memref<1x80xi32, #tpu.memory_space<hbm>>
    %dma_start3A_186 = tpu.memref_squeeze %dma_start3A_185 : memref<1x80xi32, #tpu.memory_space<hbm>> -> memref<80xi32, #tpu.memory_space<hbm>>
    tpu.enqueue_dma source(%dma_start3A_186 : memref<80xi32, #tpu.memory_space<hbm>>) target(%arg10 : memref<80xi32, #tpu.memory_space<vmem>>) target_semaphore(%arg19 : memref<!tpu.dma_semaphore, #tpu.memory_space<semaphore_mem>>)
    %add3A_187 = arith.constant 9840 : i32
    %add3A_188 = arith.addi %mul3A_2, %add3A_187 : i32
    %dma_wait3A_189 = arith.constant 0 : i32
    %dma_wait3A_190 = tpu.memref_slice %arg3[%dma_wait3A_189, %add3A_188] : memref<2x320000xi32, #tpu.memory_space<hbm>> -> memref<1x80xi32, #tpu.memory_space<hbm>>
    %dma_wait3A_191 = tpu.memref_squeeze %dma_wait3A_190 : memref<1x80xi32, #tpu.memory_space<hbm>> -> memref<80xi32, #tpu.memory_space<hbm>>
    %dma_wait3A_192 = tpu.memref_slice %arg3[%dma_wait3A_189, %add3A_188] : memref<2x320000xi32, #tpu.memory_space<hbm>> -> memref<1x80xi32, #tpu.memory_space<hbm>>
    %dma_wait3A_193 = tpu.memref_squeeze %dma_wait3A_192 : memref<1x80xi32, #tpu.memory_space<hbm>> -> memref<80xi32, #tpu.memory_space<hbm>>
    tpu.wait_dma2 semaphore(%arg18 : memref<!tpu.dma_semaphore, #tpu.memory_space<semaphore_mem>>) src(%dma_wait3A_193 : memref<80xi32, #tpu.memory_space<hbm>>) dst(%arg6 : memref<80xi32, #tpu.memory_space<vmem>>)
    %dma_wait3A_194 = arith.constant 1 : i32
    %dma_wait3A_195 = tpu.memref_slice %arg3[%dma_wait3A_194, %add3A_188] : memref<2x320000xi32, #tpu.memory_space<hbm>> -> memref<1x80xi32, #tpu.memory_space<hbm>>
    %dma_wait3A_196 = tpu.memref_squeeze %dma_wait3A_195 : memref<1x80xi32, #tpu.memory_space<hbm>> -> memref<80xi32, #tpu.memory_space<hbm>>
    %dma_wait3A_197 = tpu.memref_slice %arg3[%dma_wait3A_194, %add3A_188] : memref<2x320000xi32, #tpu.memory_space<hbm>> -> memref<1x80xi32, #tpu.memory_space<hbm>>
    %dma_wait3A_198 = tpu.memref_squeeze %dma_wait3A_197 : memref<1x80xi32, #tpu.memory_space<hbm>> -> memref<80xi32, #tpu.memory_space<hbm>>
    tpu.wait_dma2 semaphore(%arg18 : memref<!tpu.dma_semaphore, #tpu.memory_space<semaphore_mem>>) src(%dma_wait3A_198 : memref<80xi32, #tpu.memory_space<hbm>>) dst(%arg9 : memref<80xi32, #tpu.memory_space<vmem>>)
    %dma_start3A_199 = arith.constant 0 : i32
    %dma_start3A_200 = arith.constant 0 : i32
    %dma_start3A_201 = tpu.memref_slice %arg2[%dma_start3A_199, %dma_start3A_200] : memref<10000x128xf32, #tpu.memory_space<hbm>> -> memref<10000x128xf32, #tpu.memory_space<hbm>>
    tpu.enqueue_indirect_dma source(%dma_start3A_201 : memref<10000x128xf32, #tpu.memory_space<hbm>>) target(%arg12 : memref<80x128xf32, #tpu.memory_space<vmem>>) offsets(%arg6 : memref<80xi32, #tpu.memory_space<vmem>>) semaphore(%arg21 : memref<!tpu.dma_semaphore, #tpu.memory_space<semaphore_mem>>)
    %dma_wait3A_202 = arith.constant 0 : i32
    %dma_wait3A_203 = arith.constant 0 : i32
    %dma_wait3A_204 = tpu.memref_slice %arg2[%dma_wait3A_202, %dma_wait3A_203] : memref<10000x128xf32, #tpu.memory_space<hbm>> -> memref<10000x128xf32, #tpu.memory_space<hbm>>
    tpu.wait_indirect_dma semaphore(%arg23 : memref<!tpu.dma_semaphore, #tpu.memory_space<semaphore_mem>>) src(%dma_wait3A_204 : memref<10000x128xf32, #tpu.memory_space<hbm>>) dst(%arg14 : memref<80x128xf32, #tpu.memory_space<vmem>>)
    %dma_start3A_205 = arith.constant 0 : i32
    %dma_start3A_206 = arith.constant 0 : i32
    %dma_start3A_207 = tpu.memref_slice %arg16[%dma_start3A_205, %dma_start3A_206] : memref<10112x128xf32, #tpu.memory_space<vmem_shared>> -> memref<10112x128xf32, #tpu.memory_space<vmem_shared>>
    tpu.enqueue_indirect_dma source(%arg14 : memref<80x128xf32, #tpu.memory_space<vmem>>) target(%dma_start3A_207 : memref<10112x128xf32, #tpu.memory_space<vmem_shared>>) offsets(%arg11 : memref<80xi32, #tpu.memory_space<vmem>>) semaphore(%arg26 : memref<!tpu.dma_semaphore, #tpu.memory_space<semaphore_mem>>) {add = true}
    %dma_start3A_208 = arith.constant 0 : i32
    %dma_start3A_209 = arith.constant 0 : i32
    %dma_start3A_210 = tpu.memref_slice %arg17[%dma_start3A_208, %dma_start3A_209] : memref<10112x16xf32, #tpu.memory_space<vmem_shared>> -> memref<10112x16xf32, #tpu.memory_space<vmem_shared>>
    tpu.enqueue_indirect_dma source(%arg15 : memref<80x16xf32, #tpu.memory_space<vmem>>) target(%dma_start3A_210 : memref<10112x16xf32, #tpu.memory_space<vmem_shared>>) offsets(%arg11 : memref<80xi32, #tpu.memory_space<vmem>>) semaphore(%arg26 : memref<!tpu.dma_semaphore, #tpu.memory_space<semaphore_mem>>) {add = true}
    %dma_wait3A_211 = arith.constant 0 : i32
    %dma_wait3A_212 = arith.constant 0 : i32
    %dma_wait3A_213 = tpu.memref_slice %arg16[%dma_wait3A_211, %dma_wait3A_212] : memref<10112x128xf32, #tpu.memory_space<vmem_shared>> -> memref<10112x128xf32, #tpu.memory_space<vmem_shared>>
    tpu.wait_indirect_dma semaphore(%arg26 : memref<!tpu.dma_semaphore, #tpu.memory_space<semaphore_mem>>) src(%arg14 : memref<80x128xf32, #tpu.memory_space<vmem>>) dst(%dma_wait3A_213 : memref<10112x128xf32, #tpu.memory_space<vmem_shared>>)
    %dma_wait3A_214 = arith.constant 0 : i32
    %dma_wait3A_215 = arith.constant 0 : i32
    %dma_wait3A_216 = tpu.memref_slice %arg17[%dma_wait3A_214, %dma_wait3A_215] : memref<10112x16xf32, #tpu.memory_space<vmem_shared>> -> memref<10112x16xf32, #tpu.memory_space<vmem_shared>>
    tpu.wait_indirect_dma semaphore(%arg26 : memref<!tpu.dma_semaphore, #tpu.memory_space<semaphore_mem>>) src(%arg15 : memref<80x16xf32, #tpu.memory_space<vmem>>) dst(%dma_wait3A_216 : memref<10112x16xf32, #tpu.memory_space<vmem_shared>>)
    %add3A_217 = arith.constant 9920 : i32
    %add3A_218 = arith.addi %mul3A_2, %add3A_217 : i32
    %dma_wait3A_219 = arith.constant 0 : i32
    %dma_wait3A_220 = tpu.memref_slice %arg3[%dma_wait3A_219, %add3A_218] : memref<2x320000xi32, #tpu.memory_space<hbm>> -> memref<1x80xi32, #tpu.memory_space<hbm>>
    %dma_wait3A_221 = tpu.memref_squeeze %dma_wait3A_220 : memref<1x80xi32, #tpu.memory_space<hbm>> -> memref<80xi32, #tpu.memory_space<hbm>>
    %dma_wait3A_222 = tpu.memref_slice %arg3[%dma_wait3A_219, %add3A_218] : memref<2x320000xi32, #tpu.memory_space<hbm>> -> memref<1x80xi32, #tpu.memory_space<hbm>>
    %dma_wait3A_223 = tpu.memref_squeeze %dma_wait3A_222 : memref<1x80xi32, #tpu.memory_space<hbm>> -> memref<80xi32, #tpu.memory_space<hbm>>
    tpu.wait_dma2 semaphore(%arg19 : memref<!tpu.dma_semaphore, #tpu.memory_space<semaphore_mem>>) src(%dma_wait3A_223 : memref<80xi32, #tpu.memory_space<hbm>>) dst(%arg7 : memref<80xi32, #tpu.memory_space<vmem>>)
    %dma_wait3A_224 = arith.constant 1 : i32
    %dma_wait3A_225 = tpu.memref_slice %arg3[%dma_wait3A_224, %add3A_218] : memref<2x320000xi32, #tpu.memory_space<hbm>> -> memref<1x80xi32, #tpu.memory_space<hbm>>
    %dma_wait3A_226 = tpu.memref_squeeze %dma_wait3A_225 : memref<1x80xi32, #tpu.memory_space<hbm>> -> memref<80xi32, #tpu.memory_space<hbm>>
    %dma_wait3A_227 = tpu.memref_slice %arg3[%dma_wait3A_224, %add3A_218] : memref<2x320000xi32, #tpu.memory_space<hbm>> -> memref<1x80xi32, #tpu.memory_space<hbm>>
    %dma_wait3A_228 = tpu.memref_squeeze %dma_wait3A_227 : memref<1x80xi32, #tpu.memory_space<hbm>> -> memref<80xi32, #tpu.memory_space<hbm>>
    tpu.wait_dma2 semaphore(%arg19 : memref<!tpu.dma_semaphore, #tpu.memory_space<semaphore_mem>>) src(%dma_wait3A_228 : memref<80xi32, #tpu.memory_space<hbm>>) dst(%arg10 : memref<80xi32, #tpu.memory_space<vmem>>)
    %dma_start3A_229 = arith.constant 0 : i32
    %dma_start3A_230 = arith.constant 0 : i32
    %dma_start3A_231 = tpu.memref_slice %arg2[%dma_start3A_229, %dma_start3A_230] : memref<10000x128xf32, #tpu.memory_space<hbm>> -> memref<10000x128xf32, #tpu.memory_space<hbm>>
    tpu.enqueue_indirect_dma source(%dma_start3A_231 : memref<10000x128xf32, #tpu.memory_space<hbm>>) target(%arg13 : memref<80x128xf32, #tpu.memory_space<vmem>>) offsets(%arg7 : memref<80xi32, #tpu.memory_space<vmem>>) semaphore(%arg22 : memref<!tpu.dma_semaphore, #tpu.memory_space<semaphore_mem>>)
    %dma_wait3A_232 = arith.constant 0 : i32
    %dma_wait3A_233 = arith.constant 0 : i32
    %dma_wait3A_234 = tpu.memref_slice %arg2[%dma_wait3A_232, %dma_wait3A_233] : memref<10000x128xf32, #tpu.memory_space<hbm>> -> memref<10000x128xf32, #tpu.memory_space<hbm>>
    tpu.wait_indirect_dma semaphore(%arg21 : memref<!tpu.dma_semaphore, #tpu.memory_space<semaphore_mem>>) src(%dma_wait3A_234 : memref<10000x128xf32, #tpu.memory_space<hbm>>) dst(%arg12 : memref<80x128xf32, #tpu.memory_space<vmem>>)
    %dma_start3A_235 = arith.constant 0 : i32
    %dma_start3A_236 = arith.constant 0 : i32
    %dma_start3A_237 = tpu.memref_slice %arg16[%dma_start3A_235, %dma_start3A_236] : memref<10112x128xf32, #tpu.memory_space<vmem_shared>> -> memref<10112x128xf32, #tpu.memory_space<vmem_shared>>
    tpu.enqueue_indirect_dma source(%arg12 : memref<80x128xf32, #tpu.memory_space<vmem>>) target(%dma_start3A_237 : memref<10112x128xf32, #tpu.memory_space<vmem_shared>>) offsets(%arg9 : memref<80xi32, #tpu.memory_space<vmem>>) semaphore(%arg24 : memref<!tpu.dma_semaphore, #tpu.memory_space<semaphore_mem>>) {add = true}
    %dma_start3A_238 = arith.constant 0 : i32
    %dma_start3A_239 = arith.constant 0 : i32
    %dma_start3A_240 = tpu.memref_slice %arg17[%dma_start3A_238, %dma_start3A_239] : memref<10112x16xf32, #tpu.memory_space<vmem_shared>> -> memref<10112x16xf32, #tpu.memory_space<vmem_shared>>
    tpu.enqueue_indirect_dma source(%arg15 : memref<80x16xf32, #tpu.memory_space<vmem>>) target(%dma_start3A_240 : memref<10112x16xf32, #tpu.memory_space<vmem_shared>>) offsets(%arg9 : memref<80xi32, #tpu.memory_space<vmem>>) semaphore(%arg24 : memref<!tpu.dma_semaphore, #tpu.memory_space<semaphore_mem>>) {add = true}
    %dma_wait3A_241 = arith.constant 0 : i32
    %dma_wait3A_242 = arith.constant 0 : i32
    %dma_wait3A_243 = tpu.memref_slice %arg2[%dma_wait3A_241, %dma_wait3A_242] : memref<10000x128xf32, #tpu.memory_space<hbm>> -> memref<10000x128xf32, #tpu.memory_space<hbm>>
    tpu.wait_indirect_dma semaphore(%arg22 : memref<!tpu.dma_semaphore, #tpu.memory_space<semaphore_mem>>) src(%dma_wait3A_243 : memref<10000x128xf32, #tpu.memory_space<hbm>>) dst(%arg13 : memref<80x128xf32, #tpu.memory_space<vmem>>)
    %dma_start3A_244 = arith.constant 0 : i32
    %dma_start3A_245 = arith.constant 0 : i32
    %dma_start3A_246 = tpu.memref_slice %arg16[%dma_start3A_244, %dma_start3A_245] : memref<10112x128xf32, #tpu.memory_space<vmem_shared>> -> memref<10112x128xf32, #tpu.memory_space<vmem_shared>>
    tpu.enqueue_indirect_dma source(%arg13 : memref<80x128xf32, #tpu.memory_space<vmem>>) target(%dma_start3A_246 : memref<10112x128xf32, #tpu.memory_space<vmem_shared>>) offsets(%arg10 : memref<80xi32, #tpu.memory_space<vmem>>) semaphore(%arg25 : memref<!tpu.dma_semaphore, #tpu.memory_space<semaphore_mem>>) {add = true}
    %dma_start3A_247 = arith.constant 0 : i32
    %dma_start3A_248 = arith.constant 0 : i32
    %dma_start3A_249 = tpu.memref_slice %arg17[%dma_start3A_247, %dma_start3A_248] : memref<10112x16xf32, #tpu.memory_space<vmem_shared>> -> memref<10112x16xf32, #tpu.memory_space<vmem_shared>>
    tpu.enqueue_indirect_dma source(%arg15 : memref<80x16xf32, #tpu.memory_space<vmem>>) target(%dma_start3A_249 : memref<10112x16xf32, #tpu.memory_space<vmem_shared>>) offsets(%arg10 : memref<80xi32, #tpu.memory_space<vmem>>) semaphore(%arg25 : memref<!tpu.dma_semaphore, #tpu.memory_space<semaphore_mem>>) {add = true}
    %dma_wait3A_250 = arith.constant 0 : i32
    %dma_wait3A_251 = arith.constant 0 : i32
    %dma_wait3A_252 = tpu.memref_slice %arg16[%dma_wait3A_250, %dma_wait3A_251] : memref<10112x128xf32, #tpu.memory_space<vmem_shared>> -> memref<10112x128xf32, #tpu.memory_space<vmem_shared>>
    tpu.wait_indirect_dma semaphore(%arg24 : memref<!tpu.dma_semaphore, #tpu.memory_space<semaphore_mem>>) src(%arg12 : memref<80x128xf32, #tpu.memory_space<vmem>>) dst(%dma_wait3A_252 : memref<10112x128xf32, #tpu.memory_space<vmem_shared>>)
    %dma_wait3A_253 = arith.constant 0 : i32
    %dma_wait3A_254 = arith.constant 0 : i32
    %dma_wait3A_255 = tpu.memref_slice %arg17[%dma_wait3A_253, %dma_wait3A_254] : memref<10112x16xf32, #tpu.memory_space<vmem_shared>> -> memref<10112x16xf32, #tpu.memory_space<vmem_shared>>
    tpu.wait_indirect_dma semaphore(%arg24 : memref<!tpu.dma_semaphore, #tpu.memory_space<semaphore_mem>>) src(%arg15 : memref<80x16xf32, #tpu.memory_space<vmem>>) dst(%dma_wait3A_255 : memref<10112x16xf32, #tpu.memory_space<vmem_shared>>)
    %dma_wait3A_256 = arith.constant 0 : i32
    %dma_wait3A_257 = arith.constant 0 : i32
    %dma_wait3A_258 = tpu.memref_slice %arg16[%dma_wait3A_256, %dma_wait3A_257] : memref<10112x128xf32, #tpu.memory_space<vmem_shared>> -> memref<10112x128xf32, #tpu.memory_space<vmem_shared>>
    tpu.wait_indirect_dma semaphore(%arg25 : memref<!tpu.dma_semaphore, #tpu.memory_space<semaphore_mem>>) src(%arg13 : memref<80x128xf32, #tpu.memory_space<vmem>>) dst(%dma_wait3A_258 : memref<10112x128xf32, #tpu.memory_space<vmem_shared>>)
    %dma_wait3A_259 = arith.constant 0 : i32
    %dma_wait3A_260 = arith.constant 0 : i32
    %dma_wait3A_261 = tpu.memref_slice %arg17[%dma_wait3A_259, %dma_wait3A_260] : memref<10112x16xf32, #tpu.memory_space<vmem_shared>> -> memref<10112x16xf32, #tpu.memory_space<vmem_shared>>
    tpu.wait_indirect_dma semaphore(%arg25 : memref<!tpu.dma_semaphore, #tpu.memory_space<semaphore_mem>>) src(%arg15 : memref<80x16xf32, #tpu.memory_space<vmem>>) dst(%dma_wait3A_261 : memref<10112x16xf32, #tpu.memory_space<vmem_shared>>)
    %barrier3A_262 = arith.constant 0 : index
    tpu.barrier barrier_id(%barrier3A_262)
    "tpu.region"() ({
      %run_scoped3A = tpu.sem_alloc : memref<!tpu.dma_semaphore, #tpu.memory_space<semaphore_mem>>
      %dma_start3A_263 = arith.constant 0 : i32
      %dma_start3A_264 = tpu.memref_slice %arg4[%arg0, %mul3A_9, %dma_start3A_263] : memref<2x10112x128xf32, #tpu.memory_space<hbm>> -> memref<1x632x128xf32, #tpu.memory_space<hbm>>
      %dma_start3A_265 = tpu.memref_squeeze %dma_start3A_264 : memref<1x632x128xf32, #tpu.memory_space<hbm>> -> memref<632x128xf32, #tpu.memory_space<hbm>>
      %dma_start3A_266 = arith.constant 0 : i32
      %dma_start3A_267 = tpu.memref_slice %arg16[%mul3A_9, %dma_start3A_266] : memref<10112x128xf32, #tpu.memory_space<vmem_shared>> -> memref<632x128xf32, #tpu.memory_space<vmem_shared>>
      tpu.enqueue_dma source(%dma_start3A_267 : memref<632x128xf32, #tpu.memory_space<vmem_shared>>) target(%dma_start3A_265 : memref<632x128xf32, #tpu.memory_space<hbm>>) target_semaphore(%run_scoped3A : memref<!tpu.dma_semaphore, #tpu.memory_space<semaphore_mem>>)
      %dma_wait3A_268 = arith.constant 0 : i32
      %dma_wait3A_269 = tpu.memref_slice %arg4[%arg0, %mul3A_9, %dma_wait3A_268] : memref<2x10112x128xf32, #tpu.memory_space<hbm>> -> memref<1x632x128xf32, #tpu.memory_space<hbm>>
      %dma_wait3A_270 = tpu.memref_squeeze %dma_wait3A_269 : memref<1x632x128xf32, #tpu.memory_space<hbm>> -> memref<632x128xf32, #tpu.memory_space<hbm>>
      %dma_wait3A_271 = arith.constant 0 : i32
      %dma_wait3A_272 = tpu.memref_slice %arg16[%mul3A_9, %dma_wait3A_271] : memref<10112x128xf32, #tpu.memory_space<vmem_shared>> -> memref<632x128xf32, #tpu.memory_space<vmem_shared>>
      tpu.wait_dma2 semaphore(%run_scoped3A : memref<!tpu.dma_semaphore, #tpu.memory_space<semaphore_mem>>) src(%dma_wait3A_272 : memref<632x128xf32, #tpu.memory_space<vmem_shared>>) dst(%dma_wait3A_270 : memref<632x128xf32, #tpu.memory_space<hbm>>)
      tpu.yield
    }) : () -> ()
    "tpu.region"() ({
      %run_scoped3A = tpu.sem_alloc : memref<!tpu.dma_semaphore, #tpu.memory_space<semaphore_mem>>
      %dma_start3A_263 = arith.constant 0 : i32
      %dma_start3A_264 = tpu.memref_slice %arg5[%arg0, %mul3A_9, %dma_start3A_263] : memref<2x10112x16xf32, #tpu.memory_space<hbm>> -> memref<1x632x16xf32, #tpu.memory_space<hbm>>
      %dma_start3A_265 = tpu.memref_squeeze %dma_start3A_264 : memref<1x632x16xf32, #tpu.memory_space<hbm>> -> memref<632x16xf32, #tpu.memory_space<hbm>>
      %dma_start3A_266 = arith.constant 0 : i32
      %dma_start3A_267 = tpu.memref_slice %arg17[%mul3A_9, %dma_start3A_266] : memref<10112x16xf32, #tpu.memory_space<vmem_shared>> -> memref<632x16xf32, #tpu.memory_space<vmem_shared>>
      tpu.enqueue_dma source(%dma_start3A_267 : memref<632x16xf32, #tpu.memory_space<vmem_shared>>) target(%dma_start3A_265 : memref<632x16xf32, #tpu.memory_space<hbm>>) target_semaphore(%run_scoped3A : memref<!tpu.dma_semaphore, #tpu.memory_space<semaphore_mem>>)
      %dma_wait3A_268 = arith.constant 0 : i32
      %dma_wait3A_269 = tpu.memref_slice %arg5[%arg0, %mul3A_9, %dma_wait3A_268] : memref<2x10112x16xf32, #tpu.memory_space<hbm>> -> memref<1x632x16xf32, #tpu.memory_space<hbm>>
      %dma_wait3A_270 = tpu.memref_squeeze %dma_wait3A_269 : memref<1x632x16xf32, #tpu.memory_space<hbm>> -> memref<632x16xf32, #tpu.memory_space<hbm>>
      %dma_wait3A_271 = arith.constant 0 : i32
      %dma_wait3A_272 = tpu.memref_slice %arg17[%mul3A_9, %dma_wait3A_271] : memref<10112x16xf32, #tpu.memory_space<vmem_shared>> -> memref<632x16xf32, #tpu.memory_space<vmem_shared>>
      tpu.wait_dma2 semaphore(%run_scoped3A : memref<!tpu.dma_semaphore, #tpu.memory_space<semaphore_mem>>) src(%dma_wait3A_272 : memref<632x16xf32, #tpu.memory_space<vmem_shared>>) dst(%dma_wait3A_270 : memref<632x16xf32, #tpu.memory_space<hbm>>)
      tpu.yield
    }) : () -> ()
    return
  }
}

module attributes {stable_mosaic.version = 14 : i64} {
  func.func @_tc_body(%arg0: i32, %arg1: memref<2x2000x128xf32, #tpu.memory_space<vmem>>, %arg2: memref<2x2000x16xf32, #tpu.memory_space<vmem>>, %arg3: memref<2000x128xf32, #tpu.memory_space<vmem>>, %arg4: memref<128x128xf32, #tpu.memory_space<vmem>>, %arg5: memref<128x128xf32, #tpu.memory_space<vmem>>, %arg6: memref<1x128xf32, #tpu.memory_space<vmem>>, %arg7: memref<1x128xf32, #tpu.memory_space<vmem>>, %arg8: memref<1x128xf32, #tpu.memory_space<vmem>>, %arg9: memref<2000x128xf32, #tpu.memory_space<vmem>>) attributes {dimension_semantics = [#tpu.dimension_semantics<arbitrary>], iteration_bounds = array<i64: 5>, scalar_prefetch = 0 : i64, scratch_operands = 0 : i64, tpu.core_type = #tpu.core_type<tc>, window_params = [{transform_indices = @transform_0, window_bounds = array<i64: 2, 2000, 128>}, {transform_indices = @transform_1, window_bounds = array<i64: 2, 2000, 16>}, {transform_indices = @transform_2, window_bounds = array<i64: 2000, 128>}, {pipeline_mode = #tpu.pipeline_mode<synchronous>, transform_indices = @transform_3, window_bounds = array<i64: 128, 128>}, {pipeline_mode = #tpu.pipeline_mode<synchronous>, transform_indices = @transform_4, window_bounds = array<i64: 128, 128>}, {pipeline_mode = #tpu.pipeline_mode<synchronous>, transform_indices = @transform_5, window_bounds = array<i64: 1, 128>}, {pipeline_mode = #tpu.pipeline_mode<synchronous>, transform_indices = @transform_6, window_bounds = array<i64: 1, 128>}, {pipeline_mode = #tpu.pipeline_mode<synchronous>, transform_indices = @transform_7, window_bounds = array<i64: 1, 128>}, {transform_indices = @transform_8, window_bounds = array<i64: 2000, 128>}]} {
    %get3A = arith.constant 0 : index
    %get3A_0 = arith.constant 0 : index
    %get3A_1 = arith.constant 0 : index
    %get3A_2 = vector.load %arg1[%get3A, %get3A_0, %get3A_1] : memref<2x2000x128xf32, #tpu.memory_space<vmem>>, vector<1x2000x128xf32>
    %get3A_3 = vector.shape_cast %get3A_2 : vector<1x2000x128xf32> to vector<2000x128xf32>
    %get3A_4 = arith.constant 1 : index
    %get3A_5 = arith.constant 0 : index
    %get3A_6 = arith.constant 0 : index
    %get3A_7 = vector.load %arg1[%get3A_4, %get3A_5, %get3A_6] : memref<2x2000x128xf32, #tpu.memory_space<vmem>>, vector<1x2000x128xf32>
    %get3A_8 = vector.shape_cast %get3A_7 : vector<1x2000x128xf32> to vector<2000x128xf32>
    %add3A = arith.addf %get3A_3, %get3A_8 : vector<2000x128xf32>
    %get3A_9 = arith.constant 0 : index
    %get3A_10 = arith.constant 0 : index
    %get3A_11 = arith.constant 0 : index
    %get3A_12 = vector.load %arg2[%get3A_9, %get3A_10, %get3A_11] : memref<2x2000x16xf32, #tpu.memory_space<vmem>>, vector<1x2000x16xf32>
    %get3A_13 = vector.shape_cast %get3A_12 : vector<1x2000x16xf32> to vector<2000x16xf32>
    %slice3A = vector.extract_strided_slice %get3A_13 {offsets = [0, 0], sizes = [2000, 1], strides = [1, 1]} : vector<2000x16xf32> to vector<2000x1xf32>
    %get3A_14 = arith.constant 1 : index
    %get3A_15 = arith.constant 0 : index
    %get3A_16 = arith.constant 0 : index
    %get3A_17 = vector.load %arg2[%get3A_14, %get3A_15, %get3A_16] : memref<2x2000x16xf32, #tpu.memory_space<vmem>>, vector<1x2000x16xf32>
    %get3A_18 = vector.shape_cast %get3A_17 : vector<1x2000x16xf32> to vector<2000x16xf32>
    %slice3A_19 = vector.extract_strided_slice %get3A_18 {offsets = [0, 0], sizes = [2000, 1], strides = [1, 1]} : vector<2000x16xf32> to vector<2000x1xf32>
    %add3A_20 = arith.addf %slice3A, %slice3A_19 : vector<2000x1xf32>
    %max3A = arith.constant 1.000000e+00 : f32
    %max3A_21 = vector.broadcast %max3A : f32 to vector<2000x1xf32>
    %max3A_22 = arith.maximumf %add3A_20, %max3A_21 : vector<2000x1xf32>
    %div3A = vector.broadcast %max3A_22 : vector<2000x1xf32> to vector<2000x128xf32>
    %div3A_23 = arith.divf %add3A, %div3A : vector<2000x128xf32>
    %get3A_24 = arith.constant 0 : index
    %get3A_25 = arith.constant 0 : index
    %get3A_26 = vector.load %arg4[%get3A_24, %get3A_25] : memref<128x128xf32, #tpu.memory_space<vmem>>, vector<128x128xf32>
    %dot_general3A = arith.constant dense<0.000000e+00> : vector<2000x128xf32>
    %dot_general3A_27 = tpu.matmul %div3A_23, %get3A_26, %dot_general3A {dimension_numbers = #tpu.dot_dimension_numbers<[1], [1], [0], [0], [0, 0, 1, 0], [], []>, transpose_lhs_hint = false} : vector<2000x128xf32>, vector<128x128xf32>, vector<2000x128xf32> -> vector<2000x128xf32>
    %get3A_28 = arith.constant 0 : index
    %get3A_29 = arith.constant 0 : index
    %get3A_30 = vector.load %arg3[%get3A_28, %get3A_29] : memref<2000x128xf32, #tpu.memory_space<vmem>>, vector<2000x128xf32>
    %get3A_31 = arith.constant 0 : index
    %get3A_32 = arith.constant 0 : index
    %get3A_33 = vector.load %arg5[%get3A_31, %get3A_32] : memref<128x128xf32, #tpu.memory_space<vmem>>, vector<128x128xf32>
    %dot_general3A_34 = arith.constant dense<0.000000e+00> : vector<2000x128xf32>
    %dot_general3A_35 = tpu.matmul %get3A_30, %get3A_33, %dot_general3A_34 {dimension_numbers = #tpu.dot_dimension_numbers<[1], [1], [0], [0], [0, 0, 1, 0], [], []>, transpose_lhs_hint = false} : vector<2000x128xf32>, vector<128x128xf32>, vector<2000x128xf32> -> vector<2000x128xf32>
    %add3A_36 = arith.addf %dot_general3A_27, %dot_general3A_35 : vector<2000x128xf32>
    %get3A_37 = arith.constant 0 : index
    %get3A_38 = arith.constant 0 : index
    %get3A_39 = vector.load %arg6[%get3A_37, %get3A_38] : memref<1x128xf32, #tpu.memory_space<vmem>>, vector<1x128xf32>
    %add3A_40 = vector.broadcast %get3A_39 : vector<1x128xf32> to vector<2000x128xf32>
    %add3A_41 = arith.addf %add3A_36, %add3A_40 : vector<2000x128xf32>
    %reduce_sum3A = arith.constant dense<0.000000e+00> : vector<2000xf32>
    %reduce_sum3A_42 = vector.multi_reduction <add>, %add3A_41, %reduce_sum3A [1] : vector<2000x128xf32> to vector<2000xf32>
    %broadcast_in_dim3A = vector.shape_cast %reduce_sum3A_42 : vector<2000xf32> to vector<2000x1xf32>
    %div3A_43 = arith.constant 1.280000e+02 : f32
    %div3A_44 = vector.broadcast %div3A_43 : f32 to vector<2000x1xf32>
    %div3A_45 = arith.divf %broadcast_in_dim3A, %div3A_44 : vector<2000x1xf32>
    %sub3A = vector.broadcast %div3A_45 : vector<2000x1xf32> to vector<2000x128xf32>
    %sub3A_46 = arith.subf %add3A_41, %sub3A : vector<2000x128xf32>
    %mul3A = arith.mulf %sub3A_46, %sub3A_46 : vector<2000x128xf32>
    %reduce_sum3A_47 = arith.constant dense<0.000000e+00> : vector<2000xf32>
    %reduce_sum3A_48 = vector.multi_reduction <add>, %mul3A, %reduce_sum3A_47 [1] : vector<2000x128xf32> to vector<2000xf32>
    %broadcast_in_dim3A_49 = vector.shape_cast %reduce_sum3A_48 : vector<2000xf32> to vector<2000x1xf32>
    %div3A_50 = arith.constant 1.280000e+02 : f32
    %div3A_51 = vector.broadcast %div3A_50 : f32 to vector<2000x1xf32>
    %div3A_52 = arith.divf %broadcast_in_dim3A_49, %div3A_51 : vector<2000x1xf32>
    %add3A_53 = arith.constant 9.99999974E-6 : f32
    %add3A_54 = vector.broadcast %add3A_53 : f32 to vector<2000x1xf32>
    %add3A_55 = arith.addf %div3A_52, %add3A_54 : vector<2000x1xf32>
    %rsqrt3A = math.rsqrt %add3A_55 : vector<2000x1xf32>
    %mul3A_56 = vector.broadcast %rsqrt3A : vector<2000x1xf32> to vector<2000x128xf32>
    %mul3A_57 = arith.mulf %sub3A_46, %mul3A_56 : vector<2000x128xf32>
    %get3A_58 = arith.constant 0 : index
    %get3A_59 = arith.constant 0 : index
    %get3A_60 = vector.load %arg7[%get3A_58, %get3A_59] : memref<1x128xf32, #tpu.memory_space<vmem>>, vector<1x128xf32>
    %mul3A_61 = vector.broadcast %get3A_60 : vector<1x128xf32> to vector<2000x128xf32>
    %mul3A_62 = arith.mulf %mul3A_57, %mul3A_61 : vector<2000x128xf32>
    %get3A_63 = arith.constant 0 : index
    %get3A_64 = arith.constant 0 : index
    %get3A_65 = vector.load %arg8[%get3A_63, %get3A_64] : memref<1x128xf32, #tpu.memory_space<vmem>>, vector<1x128xf32>
    %add3A_66 = vector.broadcast %get3A_65 : vector<1x128xf32> to vector<2000x128xf32>
    %add3A_67 = arith.addf %mul3A_62, %add3A_66 : vector<2000x128xf32>
    %max3A_68 = arith.constant 0.000000e+00 : f32
    %max3A_69 = vector.broadcast %max3A_68 : f32 to vector<2000x128xf32>
    %max3A_70 = arith.maximumf %add3A_67, %max3A_69 : vector<2000x128xf32>
    %swap3A = arith.constant 0 : index
    %swap3A_71 = arith.constant 0 : index
    %swap3A_72 = vector.load %arg9[%swap3A, %swap3A_71] : memref<2000x128xf32, #tpu.memory_space<vmem>>, vector<2000x128xf32>
    tpu.vector_store %arg9[%swap3A, %swap3A_71], %max3A_70 {strides = array<i32>} : memref<2000x128xf32, #tpu.memory_space<vmem>>, vector<2000x128xf32>,
    return
  }
  func.func @transform_0(%arg0: i32) -> (i32, i32, i32) {
    %c0_i32 = arith.constant 0 : i32
    %c0_i32_0 = arith.constant 0 : i32
    %c0_i32_1 = arith.constant 0 : i32
    return %c0_i32, %arg0, %c0_i32_0 : i32, i32, i32
  }
  func.func @transform_1(%arg0: i32) -> (i32, i32, i32) {
    %c0_i32 = arith.constant 0 : i32
    %c0_i32_0 = arith.constant 0 : i32
    %c0_i32_1 = arith.constant 0 : i32
    return %c0_i32, %arg0, %c0_i32_0 : i32, i32, i32
  }
  func.func @transform_2(%arg0: i32) -> (i32, i32) {
    %c0_i32 = arith.constant 0 : i32
    %c0_i32_0 = arith.constant 0 : i32
    return %arg0, %c0_i32 : i32, i32
  }
  func.func @transform_3(%arg0: i32) -> (i32, i32) {
    %c0_i32 = arith.constant 0 : i32
    %c0_i32_0 = arith.constant 0 : i32
    %c0_i32_1 = arith.constant 0 : i32
    return %c0_i32, %c0_i32_0 : i32, i32
  }
  func.func @transform_4(%arg0: i32) -> (i32, i32) {
    %c0_i32 = arith.constant 0 : i32
    %c0_i32_0 = arith.constant 0 : i32
    %c0_i32_1 = arith.constant 0 : i32
    return %c0_i32, %c0_i32_0 : i32, i32
  }
  func.func @transform_5(%arg0: i32) -> (i32, i32) {
    %c0_i32 = arith.constant 0 : i32
    %c0_i32_0 = arith.constant 0 : i32
    %c0_i32_1 = arith.constant 0 : i32
    return %c0_i32, %c0_i32_0 : i32, i32
  }
  func.func @transform_6(%arg0: i32) -> (i32, i32) {
    %c0_i32 = arith.constant 0 : i32
    %c0_i32_0 = arith.constant 0 : i32
    %c0_i32_1 = arith.constant 0 : i32
    return %c0_i32, %c0_i32_0 : i32, i32
  }
  func.func @transform_7(%arg0: i32) -> (i32, i32) {
    %c0_i32 = arith.constant 0 : i32
    %c0_i32_0 = arith.constant 0 : i32
    %c0_i32_1 = arith.constant 0 : i32
    return %c0_i32, %c0_i32_0 : i32, i32
  }
  func.func @transform_8(%arg0: i32) -> (i32, i32) {
    %c0_i32 = arith.constant 0 : i32
    %c0_i32_0 = arith.constant 0 : i32
    return %arg0, %c0_i32 : i32, i32
  }
}

</mosaic_0001>

<sc_bundles>
// kernel: kernel.4.cloned.1.call-start
scs
__scs_entry_jumppad:
0x0: {  	(pc) =	sbr.rel $0x88, $3  }
0x1: {  	(tag) =	ssettag $0x0;
	lr =	simm.s32 $0x1  }
0x2: {  	[smem:$0x3F9A] =	sst lr;
	_ =	strace $0xD0000000  }
0x3: {  	_ = 	snop  }
0x4: {  	_ = 	snop  }
0x5: {  	_ = 	snop  }
0x6: {  	_ = 	snop  }
0x7: {  	_ = 	snop  }
__scs_overlays_trampoline_lowered:
0x8: {  	[smem:$0x3FA9] =	sst s0  }
0x9: {  	[smem:$0x3FAA] =	sst s1  }
0xa: {  	[smem:$0x3FAB] =	sst s2  }
0xb: {  	[smem:$0x3FAC] =	sst s3  }
0xc: {  	[smem:$0x3FAD] =	sst s4  }
0xd: {  	[smem:$0x3FAE] =	sst s5  }
0xe: {  	[smem:$0x3FAF] =	sst s6  }
0xf: {  	[smem:$0x3FB0] =	sst s7  }
0x10: {  	[smem:$0x3FB1] =	sst s8  }
0x11: {  	[smem:$0x3FB2] =	sst s9;
	s0 =	simm.s32 @!p0 $0x0  }
0x12: {  	s1 =	sld [smem:$0x3F98];
	s0 =	simm.s32 @p0 $0x1  }
0x13: {  	[smem:$0x3FB3] =	sst s0;
	s0 =	simm.s32 @!p1 $0x0  }
0x14: {  	s2 =	sld [smem:$0x3F97];
	s0 =	simm.s32 @p1 $0x1  }
0x15: {  	[smem:$0x3FB4] =	sst s0;
	s0 =	simm.s32 @!p2 $0x0  }
0x16: {  	s3 =	sld [smem:$0x3FDB];
	s0 =	simm.s32 @p2 $0x1  }
0x17: {  	s4 =	simm.s32 $0x1BF5;
	[smem:$0x3FB6] =	sst s0  }
0x18: {  	s0 =	sld [smem:$0x3F99];
	_ =	swait.ge [sflag:s4], $0x0  }
0x19: {  	s7 =	sld [smem:$0x3F9A]  }
0x1a: {  	s8 =	sadd.s32 $0xFFFFE003, lr  }
0x1b: {  	s9 =	sadd.s32 $0xFFFFFEF7, lr;
	s5 =	simm.s32 $0xFFFFFFFF;
	p2 =	slt.u32 s8, $0xFFFFF086  }
0x1c: {  	p1 =	slt.u32 s9, $0xF7A;
	s5 =	simm.s32 @!p2 $0x0  }
0x1d: {  	s5 =	simm.s32 @p1 $0x1;
	p0 =	seq.s32 s7, s2  }
0x1e: {  	s7 =	smul.u32 @!p0 $0xF7A, s2;
	p2 =	seq.s32 @!p0 s5, $0x0  }
0x1f: {  	s9 =	smul.u32 $0xF7A, s1;
	s8 =	simm.s32 @!p0 $0x1BF5;
	p2 =	por !p2, p0  }
0x20: {  	[sflag:s8] =	ssyncset.s32 @!p0 $0xFFFFF086;
	s6 =	sadd.s32 @!p0 s3, s7;
	s7 =	simm.s32 @!p0 $0x108  }
0x21: {  	s3 =	sadd.s32 s3, s9;
	s6 =	sadd.s32 @!p0 $0x88, s6;
	s7 =	simm.s32 @p2 $0x1082  }
0x22: {  	[simem:s7], [sflag:s8] =	dma.local @!p0 [hbm:s6], $0xF7A  }
0x23: {  	s9 =	sor.u32 $0xD0000000, s2;
	s6 =	simm.s32 $0x108;
	_ =	swait.ge @!p0 [sflag:s8], $0x0  }
0x24: {  	s3 =	sadd.s32 $0x88, s3;
	s6 =	simm.s32 @!p1 $0x1082;
	[sflag:s4] =	ssyncset.s32 $0xFFFFF086  }
0x25: {  	[simem:s6], [sflag:s4] =	dma.local [hbm:s3], $0xF7A  }
0x26: {  	[smem:$0x3F9A] =	sst s1;
	(tag) =	ssettag s2;
	_ =	strace s9  }
0x27: {  	s1 =	sld [smem:$0x3FAA]  }
0x28: {  	s2 =	sld [smem:$0x3FAB]  }
0x29: {  	s4 =	sld [smem:$0x3FAD]  }
0x2a: {  	p0 =	seq.s32 s5, $0x0;
	s5 =	sld [smem:$0x3FAE]  }
0x2b: {  	s6 =	sld [smem:$0x3FAF]  }
0x2c: {  	s7 =	sld [smem:$0x3FB0]  }
0x2d: {  	s3 =	simm.s32 $0x108;
	s8 =	sld [smem:$0x3FB1]  }
0x2e: {  	s3 =	simm.s32 @!p0 $0x1082;
	s9 =	sld [smem:$0x3FB2]  }
0x2f: {  	lr =	sadd.s32 s0, s3;
	s0 =	sld [smem:$0x3FA9]  }
0x30: {  	s3 =	sld [smem:$0x3FAC]  }
0x31: {  	[smem:$0x3FB5] =	sst s10  }
0x32: {  	s10 =	sld [smem:$0x3FB3];
	_ =	sdelay $0x3  }
0x33: {  	p0 =	seq.s32 s10, $0x1;
	s10 =	sld [smem:$0x3FB5];
	_ =	sdelay $0x3  }
0x34: {  	[smem:$0x3FB5] =	sst s10  }
0x35: {  	s10 =	sld [smem:$0x3FB4];
	_ =	sdelay $0x3  }
0x36: {  	p1 =	seq.s32 s10, $0x1;
	s10 =	sld [smem:$0x3FB5];
	_ =	sdelay $0x3  }
0x37: {  	[smem:$0x3FB5] =	sst s10  }
0x38: {  	s10 =	sld [smem:$0x3FB6]  }
0x39: {  	_ = 	snop;
	(pc) =	sbr.ind lr, $3  }
0x3a: {  	_ = 	snop  }
0x3b: {  	_ = 	snop  }
0x3c: {  	p2 =	seq.s32 s10, $0x1;
	s10 =	sld [smem:$0x3FB5]  }
0x3d: {  	_ =	shalt  }
0x3e: {  	_ =	shalt  }
0x3f: {  	_ =	shalt  }
0x40: {  	_ =	shalt  }
0x41: {  	_ =	shalt  }
0x42: {  	_ =	shalt  }
0x43: {  	_ =	shalt  }
0x44: {  	_ =	shalt  }
0x45: {  	_ =	shalt  }
0x46: {  	_ =	shalt  }
0x47: {  	_ =	shalt  }
0x48: {  	_ =	shalt  }
0x49: {  	_ =	shalt  }
0x4a: {  	_ =	shalt  }
0x4b: {  	_ =	shalt  }
0x4c: {  	_ =	shalt  }
0x4d: {  	_ =	shalt  }
0x4e: {  	_ =	shalt  }
0x4f: {  	_ =	shalt  }
0x50: {  	_ =	shalt  }
0x51: {  	_ =	shalt  }
0x52: {  	_ =	shalt  }
0x53: {  	_ =	shalt  }
0x54: {  	_ =	shalt  }
0x55: {  	_ =	shalt  }
0x56: {  	_ =	shalt  }
0x57: {  	_ =	shalt  }
0x58: {  	_ =	shalt  }
0x59: {  	_ =	shalt  }
0x5a: {  	_ =	shalt  }
0x5b: {  	_ =	shalt  }
0x5c: {  	_ =	shalt  }
0x5d: {  	_ =	shalt  }
0x5e: {  	_ =	shalt  }
0x5f: {  	_ =	shalt  }
0x60: {  	_ =	shalt  }
0x61: {  	_ =	shalt  }
0x62: {  	_ =	shalt  }
0x63: {  	_ =	shalt  }
0x64: {  	_ =	shalt  }
0x65: {  	_ =	shalt  }
0x66: {  	_ =	shalt  }
0x67: {  	_ =	shalt  }
0x68: {  	_ =	shalt  }
0x69: {  	_ =	shalt  }
0x6a: {  	_ =	shalt  }
0x6b: {  	_ =	shalt  }
0x6c: {  	_ =	shalt  }
0x6d: {  	_ =	shalt  }
0x6e: {  	_ =	shalt  }
0x6f: {  	_ =	shalt  }
0x70: {  	_ =	shalt  }
0x71: {  	_ =	shalt  }
0x72: {  	_ =	shalt  }
0x73: {  	_ =	shalt  }
0x74: {  	_ =	shalt  }
0x75: {  	_ =	shalt  }
0x76: {  	_ =	shalt  }
0x77: {  	_ =	shalt  }
0x78: {  	_ =	shalt  }
0x79: {  	_ =	shalt  }
0x7a: {  	_ =	shalt  }
0x7b: {  	_ =	shalt  }
0x7c: {  	_ =	shalt  }
0x7d: {  	_ =	shalt  }
0x7e: {  	_ =	shalt  }
0x7f: {  	_ =	shalt  }
0x80: {  	_ =	shalt  }
0x81: {  	_ =	shalt  }
0x82: {  	_ =	shalt  }
0x83: {  	_ =	shalt  }
0x84: {  	_ =	shalt  }
0x85: {  	_ =	shalt  }
0x86: {  	_ =	shalt  }
0x87: {  	_ =	shalt  }
.Lfunc_end0:
.L_simem_size_0:
called_computation_lowered:
.L_overlay_start_0:
0x88: {  	s2 =	sld [smem:$0x3FD9]  }
0x89: {  	s3 =	sld [smem:$0x3FFE];
	_ =	sdelay $0x1  }
0x8a: {  	s1 =	srdreg.scid  }
0x8b: {  	s0 =	sand.u32 $0x1, s1  }
0x8c: {  	s17 =	sshll.u32 s0, $0xA;
	s2 =	sadd.s32 s3, s2  }
0x8d: {  	s2 =	sadd.s32 s2, s17  }
0x8e: {  	[smem:$0x3FC1] =	sst s2  }
0x8f: {  	_ = 	snop  }
0x90: {  	s2 =	sld [smem:$0x3FC9]  }
0x91: {  	s18 =	sld [smem:$0x3FD0];
	(tm) =	ssettm $0x1  }
0x92: {  	s4 =	sld [smem:$0x3FFB];
	_ =	sdelay $0x3  }
0x93: {  	_ =	strace s4  }
0x94: {  	s4 =	sld [smem:$0x3FFC];
	_ =	sdelay $0x3  }
0x95: {  	_ =	strace s4  }
0x96: {  	s4 =	sld [smem:$0x3FFD];
	_ =	sdelay $0x3  }
0x97: {  	_ =	strace s4  }
0x98: {  	_ =	strace $0x8FFFFFFF  }
0x99: {  	s19 =	sld [smem:$0x3FDB];
	_ =	sdelay $0x1  }
0x9a: {  	s5 =	simm.s32 $_scs_section_size  }
0x9b: {  	s6 =	simm.s32 $_size__tile_overlayer_lowered;
	s7 =	simm.s32 $_tile_overlayer_lowered  }
0x9c: {  	s22 =	simm.s32 $0x1BFF;
	s21 =	sshll.u32 s7, $0x1;
	s4 =	sadd.s32 s5, s19  }
0x9d: {  	s8 =	simm.s32 $0x0;
	s20 =	sshll.u32 s6, $0x1;
	s6 =	sadd.s32 s21, s4  }
0x9e: {  	[timem:s8], [sflag:s22] =	dma.local [hbm:s6], s20  }
0x9f: {  	_ =	swait.ge [sflag:s22], s20  }
0xa0: {  	s5 =	ssub.s32 $0x0, s20;
	[sflag:s22] =	ssyncset.done $0x0  }
0xa1: {  	[sflag:s22] =	ssyncadd.s32 s5;
	_ =	sdelay $0x1  }
0xa2: {  	s23 =	simm.s32 $0x1B8B  }
0xa3: {  	_ =	swait.ge [sflag:s23], $0x1  }
0xa4: {  	[sflag:s23] =	ssyncset.done $0x0  }
0xa5: {  	s25 =	simm.s32 $0x1B8E;
	s24 =	sld [smem:$0x3FFE];
	[sflag:s23] =	ssyncadd.s32 $0xFFFFFFFF  }
0xa6: {  	s26 =	simm.s32 $execute0_lowered;
	[smem:$0x3FD2] =	sst s25  }
0xa7: {  	s6 =	sshll.u32 s26, $0x1;
	_ =	strace $0x80000046;
	[dreg:$0x1] =	wrdreg $0xFFFFFFFF  }
0xa8: {  	s28 =	simm.s32 $_size_execute0_lowered;
	s4 =	sadd.s32 s4, s6;
	[dreg:$0x0] =	wrdreg $0x0  }
0xa9: {  	s6 =	sshll.u32 s28, $0x1;
	[dreg:$0x2] =	wrdreg s4  }
0xaa: {  	[dreg:$0x3] =	wrdreg s6  }
0xab: {  	[dreg:$0x4] =	wrdreg $0xC0  }
0xac: {  	_ =	task [dreg:s8], $0x5FFFF  }
0xad: {  	[dreg:$0x1] =	wrdreg $0xFFFFFFFF  }
0xae: {  	[dreg:$0x0] =	wrdreg $0x60  }
0xaf: {  	[dreg:$0x2] =	wrdreg s2  }
0xb0: {  	[dreg:$0x3] =	wrdreg s18  }
0xb1: {  	[dreg:$0x4] =	wrdreg s24  }
0xb2: {  	[dreg:$0x5] =	wrdreg $0x7EE00  }
0xb3: {  	[dreg:$0x6] =	wrdreg $0x1BAE00  }
0xb4: {  	[dreg:$0x7] =	wrdreg $0x9  }
0xb5: {  	_ =	task.clear_ibuf [dreg:s8], $0x8FFFF;
	_ =	strace $0x90000046  }
0xb6: {  	s29 =	simm.s32 $0x9;
	_ =	strace $0x80000048  }
0xb7: {  	_ =	swait.ge [sflag:s29], $0x1  }
0xb8: {  	[sflag:s29] =	ssyncadd.s32 $0xFFFFFFFF  }
0xb9: {  	_ =	strace $0x90000048  }
0xba: {  	_ =	sfence  }
0xbb: {  	s30 =	sld [smem:$0x0];
	_ =	sdelay $0x2  }
0xbc: {  	s31 =	sshll.u32 s1, $0xD;
	s1 =	sshrl.u32 s1, $0x2  }
0xbd: {  	s3 =	sand.u32 $0x4000, s31;
	s1 =	sadd.s32 s1, s30  }
0xbe: {  	s0 =	sor.u32 s3, s0;
	s1 =	sshll.u32 s1, $0x11  }
0xbf: {  	s0 =	sor.u32 s1, s0  }
0xc0: {  	s0 =	sadd.s32 $0x8F2B, s0  }
0xc1: {  	[sflag:s0] =	ssyncadd.remote.s32 $0x1  }
0xc2: {  	_ =	sfence.sel $0xFFFF  }
0xc3: {  	[dreg:$0x0] =	wrdreg $0xFFFFFFFF;
	(pc) =	sbr.abs _section_cstart, $3  }
0xc4: {  	[dreg:$0x1] =	wrdreg $0xFFFFFFFF  }
0xc5: {  	_ =	task.clear_ibuf [dreg:s8], $0x2FFFF;
	_ =	strace $0x9FFFFFFF  }
0xc6: {  	(tm) =	ssettm $0x7FFFFFFF  }
0xc7: {  	_ =	shalt  }
tec
execute0_lowered:
.L_overlay_start_1:
0x0: {  	(tag) =	ssettag $0x1  }
0x1: {  	s1 =	rddreg [dreg:$0x0]  }
0x2: {  	s2 =	rddreg [dreg:$0x1]  }
0x3: {  	s0 =	srdreg.scid;
	s3 =	rddreg [dreg:$0x2]  }
0x4: {  	s17 =	stileid.u32;
	s4 =	rddreg [dreg:$0x3]  }
0x5: {  	s5 =	rddreg [dreg:$0x4];
	s7 =	smul.u32 $0x13C00, s17  }
0x6: {  	s6 =	simm.s32 $0x0;
	s29 =	simm.s32 $0x3;
	s8 =	smul.u32 $0x2780, s17  }
0x7: {  	s30 =	simm.s32 $0x51E0;
	s10 =	sand.u32 $0x1, s0;
	s14 =	smul.u32 $0x278, s17  }
0x8: {  	s31 =	simm.s32 $0x5;
	[smem:$0x7FF] =	sst s6;
	s0 =	smul.u32 $0x13C000, s10  }
0x9: {  	s9 =	smul.u32 $0x27800, s10;
	_ =	strace $0x80000047;
	s11 =	ssub.s32 $0x2, s10  }
0xa: {  	s13 =	sshll.u32 s10, $0x4;
	s10 =	smul.u32 $0x27100, s10;
	s12 =	sshrl.u32 s11, $0x1  }
0xb: {  	s15 =	sor.u32 s17, s13;
	s16 =	sadd.s32 $0x50, s14;
	s18 =	sadd.s32 s8, s5  }
0xc: {  	s22 =	sadd.s32 $0xA0, s14;
	s17 =	smul.u32 $0x2710, s17;
	s0 =	sadd.s32 s7, s0  }
0xd: {  	s9 =	sadd.s32 s8, s9;
	s7 =	sadd.s32 s7, s4;
	[dreg:$0xc] =	wrdreg s18  }
0xe: {  	s19 =	sshll.u32 s16, $0x7;
	s23 =	sshll.u32 s22, $0x7;
	s8 =	sadd.s32 $0x140, s14  }
0xf: {  	s0 =	sshrl.u32 s0, $0x3;
	s9 =	sshrl.u32 s9, $0x3;
	[dreg:$0xb] =	wrdreg s7  }
0x10: {  	s20 =	sadd.s32 s19, s4;
	s24 =	sadd.s32 s23, s4;
	s10 =	sadd.s32 s17, s10  }
0x11: {  	s17 =	sshll.u32 s8, $0x7;
	s13 =	sshll.u32 s8, $0x4;
	s0 =	sadd.s32 s0, s3  }
0x12: {  	s3 =	sadd.s32 s9, s3;
	s9 =	ssub.s32 s11, s12;
	s11 =	smul.u32 $0x2710, s15  }
0x13: {  	s12 =	sshll.u32 s16, $0x4;
	[dreg:$0xd] =	wrdreg s20;
	s15 =	sadd.s32 $0xF0, s14  }
0x14: {  	[dreg:$0xf] =	wrdreg s24;
	s18 =	sadd.s32 $0x190, s10;
	s19 =	sadd.s32 s17, s4  }
0x15: {  	s23 =	sadd.s32 $0x140, s10;
	s8 =	sadd.s32 $0x4E2F0, s10;
	s28 =	sadd.s32 $0xF0, s10  }
0x16: {  	s21 =	sadd.s32 s12, s5;
	s12 =	sshll.u32 s22, $0x4;
	[dreg:$0x13] =	wrdreg s19  }
0x17: {  	s20 =	sshrl.u32 s18, $0x3;
	s18 =	sadd.s32 s13, s5;
	[dreg:$0xe] =	wrdreg s21  }
0x18: {  	s16 =	sshll.u32 s15, $0x7;
	s0 =	sadd.s32 $0xBA00, s0;
	[dreg:$0x14] =	wrdreg s18  }
0x19: {  	s7 =	sshll.u32 s15, $0x4;
	s25 =	sadd.s32 s12, s5;
	[dreg:$0x1c] =	wrdreg s0  }
0x1a: {  	s24 =	sshrl.u32 s23, $0x3;
	s26 =	sadd.s32 s16, s4;
	[dreg:$0x10] =	wrdreg s25  }
0x1b: {  	s16 =	sadd.s32 s7, s5;
	s21 =	sadd.s32 $0x4E390, s10;
	[dreg:$0x11] =	wrdreg s26  }
0x1c: {  	s12 =	sadd.s32 s20, s2;
	s11 =	sshrl.u32 s11, $0x3;
	[dreg:$0x12] =	wrdreg s16  }
0x1d: {  	s0 =	simm.s32 $0x6;
	s15 =	sshrl.u32 s21, $0x3;
	[dreg:$0x6] =	wrdreg s12  }
0x1e: {  	s25 =	sadd.s32 $0x4E340, s10;
	s26 =	sadd.s32 $0x190, s14;
	s12 =	sadd.s32 s24, s2  }
0x1f: {  	s16 =	sadd.s32 $0x1C00, s3;
	s3 =	simm.s32 $0x8;
	[dreg:$0x8] =	wrdreg s12  }
0x20: {  	s22 =	sadd.s32 s15, s2;
	s15 =	sshrl.u32 s25, $0x3;
	[dreg:$0x1d] =	wrdreg s16  }
0x21: {  	s17 =	sshll.u32 s26, $0x7;
	[dreg:$0x7] =	wrdreg s22;
	s7 =	sadd.s32 s15, s2  }
0x22: {  	s21 =	sshll.u32 s26, $0x4;
	s19 =	sadd.s32 s17, s4;
	[dreg:$0x9] =	wrdreg s7  }
0x23: {  	s10 =	simm.s32 $0x0;
	s23 =	sadd.s32 s21, s5;
	[dreg:$0x15] =	wrdreg s19  }
0x24: {  	s15 =	sshrl.u32 s8, $0x3;
	s17 =	smax.u32 s9, $0x1;
	[dreg:$0x16] =	wrdreg s23  }
0x25: {  	s22 =	sadd.s32 $0x1E0, s14;
	s20 =	sadd.s32 s15, s2;
	[dreg:$0x1e] =	wrdreg s17  }
0x26: {  	s24 =	sshll.u32 s22, $0x7;
	s15 =	sadd.s32 s2, s11;
	[dreg:$0xa] =	wrdreg s20  }
0x27: {  	s12 =	sshll.u32 s22, $0x4;
	s25 =	sadd.s32 s24, s4;
	[dreg:$0x1b] =	wrdreg s15  }
0x28: {  	s16 =	simm.s32 $0xF0;
	s26 =	sadd.s32 s12, s5;
	[dreg:$0x17] =	wrdreg s25  }
0x29: {  	s9 =	simm.s32 $0x9;
	s18 =	sadd.s32 $0x9C40, s15;
	[dreg:$0x18] =	wrdreg s26  }
0x2a: {  	s7 =	sadd.s32 $0x230, s14;
	s19 =	sadd.s32 $0xA, s15;
	[dreg:$0x1f] =	wrdreg s18  }
0x2b: {  	s17 =	simm.s32 $0x1;
	s20 =	sadd.s32 $0x9C4A, s15;
	[smem:$0x7F6] =	sst s19  }
0x2c: {  	s8 =	sshll.u32 s7, $0x7;
	s21 =	sadd.s32 $0x14, s15;
	[smem:$0x7F7] =	sst s20  }
0x2d: {  	s12 =	sshll.u32 s7, $0x4;
	s22 =	sadd.s32 $0x9C54, s15;
	[smem:$0x7F8] =	sst s21  }
0x2e: {  	s23 =	sadd.s32 $0x4CE, s15;
	s24 =	sadd.s32 $0xA10E, s15;
	[smem:$0x7F9] =	sst s22  }
0x2f: {  	s13 =	sadd.s32 s8, s4;
	s14 =	sadd.s32 s12, s5;
	[smem:$0x7FA] =	sst s23  }
0x30: {  	[smem:$0x7FB] =	sst s24;
	s25 =	sadd.s32 $0x4D8, s15;
	s26 =	sadd.s32 $0xA118, s15  }
0x31: {  	s15 =	simm.s32 $0x79E0;
	s18 =	simm.s32 $0x50;
	[dreg:$0x19] =	wrdreg s13  }
0x32: {  	s19 =	simm.s32 $0x140;
	s20 =	simm.s32 $0x2;
	[dreg:$0x1a] =	wrdreg s14  }
0x33: {  	s21 =	simm.s32 $0x29E0;
	s22 =	simm.s32 $0xA0;
	[smem:$0x7FC] =	sst s25  }
0x34: {  	s24 =	simm.s32 $0x190;
	[smem:$0x7FD] =	sst s26;
	s13 =	simm.s32 $0x1E0  }
0x35: {  	v0 =	vimm.f32 $0.0e+00;
	v1 =	vimm.f32 $1.000000000e+00;
	s14 =	simm.s32 $0xA;
	s25 =	simm.s32 $0x4;
	s26 =	simm.s32 $0x7  }
.LBB2_1:
0x36: {  	s11 =	simm.s32 $0x220  }
0x37: {  	[tilespmem:s11+$0xFFFFFFD0] =	vst v0  }
0x38: {  	[tilespmem:s11+$0xFFFFFFE0] =	vst v0  }
0x39: {  	[tilespmem:s11+$0xFFFFFFF0] =	vst v0  }
0x3a: {  	[tilespmem:s11+$0x0] =	vst v0  }
0x3b: {  	[tilespmem:s11+$0x10] =	vst v0  }
0x3c: {  	[tilespmem:s11+$0x20] =	vst v0  }
0x3d: {  	[tilespmem:s11+$0x30] =	vst v0  }
0x3e: {  	s23 =	simm.s32 $0x0;
	s12 =	simm.s32 $0x40;
	[tilespmem:s11+$0xFFFFFFC0] =	vst v0  }
.LBB2_2:
0x3f: {  	p0 =	sne.s32 s12, $0x13C0;
	[tilespmem:s23+$0x79E0] =	vst v0;
	s11 =	sadd.s32 $0x80, s11  }
0x40: {  	[tilespmem:s11+$0xFFFFFFD0] =	vst v0  }
0x41: {  	[tilespmem:s11+$0xFFFFFFE0] =	vst v0  }
0x42: {  	[tilespmem:s11+$0xFFFFFFF0] =	vst v0  }
.Ltmp0:
0x43: {  	[tilespmem:s11+$0x0] =	vst v0;
	(pc) =	sbr.rel @p0 .LBB2_2-.Ltmp0, $4  }
0x44: {  	[tilespmem:s11+$0x10] =	vst v0  }
0x45: {  	[tilespmem:s11+$0x20] =	vst v0  }
0x46: {  	[tilespmem:s11+$0x30] =	vst v0  }
0x47: {  	s23 =	sshra.s32 s12, $0x2;
	s12 =	sadd.s32 $0x40, s12;
	[tilespmem:s11+$0xFFFFFFC0] =	vst v0  }
0x48: {  	[tilespmem:s23+$0x79E0] =	vst v0;
	s7 =	rddreg [dreg:$0xb]  }
0x49: {  	[spmem:s7] =	stream.linear.scatter [tilespmem:s13], [sflag:$0xA], $0x2800, $0x38;
	[tilespmem:$0x1E260] =	vst v63  }
0x4a: {  	_ =	swait.ge [sflag:s14], $0x2800  }
0x4b: {  	[sflag:s14] =	ssyncset.done $0x0  }
0x4c: {  	s11 =	rddreg [dreg:$0xc];
	[sflag:s14] =	ssyncadd.s32 $0xFFFFD800  }
0x4d: {  	[spmem:s11] =	stream.linear.scatter [tilespmem:s15], [sflag:$0xA], $0x500, $0x38;
	[tilespmem:$0x1E260] =	vst v63  }
0x4e: {  	_ =	swait.ge [sflag:s14], $0x500  }
0x4f: {  	[sflag:s14] =	ssyncset.done $0x0  }
0x50: {  	s12 =	rddreg [dreg:$0xd];
	[sflag:s14] =	ssyncadd.s32 $0xFFFFFB00  }
0x51: {  	[spmem:s12] =	stream.linear.scatter [tilespmem:s13], [sflag:$0xA], $0x2800, $0x38;
	[tilespmem:$0x1E260] =	vst v63  }
0x52: {  	_ =	swait.ge [sflag:s14], $0x2800  }
0x53: {  	[sflag:s14] =	ssyncset.done $0x0  }
0x54: {  	s23 =	rddreg [dreg:$0xe];
	[sflag:s14] =	ssyncadd.s32 $0xFFFFD800  }
0x55: {  	[spmem:s23] =	stream.linear.scatter [tilespmem:s15], [sflag:$0xA], $0x500, $0x38;
	[tilespmem:$0x1E260] =	vst v63  }
0x56: {  	_ =	swait.ge [sflag:s14], $0x500  }
0x57: {  	[sflag:s14] =	ssyncset.done $0x0  }
0x58: {  	s8 =	rddreg [dreg:$0xf];
	[sflag:s14] =	ssyncadd.s32 $0xFFFFFB00  }
0x59: {  	[spmem:s8] =	stream.linear.scatter [tilespmem:s13], [sflag:$0xA], $0x2800, $0x38;
	[tilespmem:$0x1E260] =	vst v63  }
0x5a: {  	_ =	swait.ge [sflag:s14], $0x2800  }
0x5b: {  	[sflag:s14] =	ssyncset.done $0x0  }
0x5c: {  	s11 =	rddreg [dreg:$0x10];
	[sflag:s14] =	ssyncadd.s32 $0xFFFFD800  }
0x5d: {  	[spmem:s11] =	stream.linear.scatter [tilespmem:s15], [sflag:$0xA], $0x500, $0x38;
	[tilespmem:$0x1E260] =	vst v63  }
0x5e: {  	_ =	swait.ge [sflag:s14], $0x500  }
0x5f: {  	[sflag:s14] =	ssyncset.done $0x0  }
0x60: {  	s12 =	rddreg [dreg:$0x11];
	[sflag:s14] =	ssyncadd.s32 $0xFFFFFB00  }
0x61: {  	[spmem:s12] =	stream.linear.scatter [tilespmem:s13], [sflag:$0xA], $0x2800, $0x38;
	[tilespmem:$0x1E260] =	vst v63  }
0x62: {  	_ =	swait.ge [sflag:s14], $0x2800  }
0x63: {  	[sflag:s14] =	ssyncset.done $0x0  }
0x64: {  	s23 =	rddreg [dreg:$0x12];
	[sflag:s14] =	ssyncadd.s32 $0xFFFFD800  }
0x65: {  	[spmem:s23] =	stream.linear.scatter [tilespmem:s15], [sflag:$0xA], $0x500, $0x38;
	[tilespmem:$0x1E260] =	vst v63  }
0x66: {  	_ =	swait.ge [sflag:s14], $0x500  }
0x67: {  	[sflag:s14] =	ssyncset.done $0x0  }
0x68: {  	s8 =	rddreg [dreg:$0x13];
	[sflag:s14] =	ssyncadd.s32 $0xFFFFFB00  }
0x69: {  	[spmem:s8] =	stream.linear.scatter [tilespmem:s13], [sflag:$0xA], $0x2800, $0x38;
	[tilespmem:$0x1E260] =	vst v63  }
0x6a: {  	_ =	swait.ge [sflag:s14], $0x2800  }
0x6b: {  	[sflag:s14] =	ssyncset.done $0x0  }
0x6c: {  	s11 =	rddreg [dreg:$0x14];
	[sflag:s14] =	ssyncadd.s32 $0xFFFFD800  }
0x6d: {  	[spmem:s11] =	stream.linear.scatter [tilespmem:s15], [sflag:$0xA], $0x500, $0x38;
	[tilespmem:$0x1E260] =	vst v63  }
0x6e: {  	_ =	swait.ge [sflag:s14], $0x500  }
0x6f: {  	[sflag:s14] =	ssyncset.done $0x0  }
0x70: {  	s12 =	rddreg [dreg:$0x15];
	[sflag:s14] =	ssyncadd.s32 $0xFFFFFB00  }
0x71: {  	[spmem:s12] =	stream.linear.scatter [tilespmem:s13], [sflag:$0xA], $0x2800, $0x38;
	[tilespmem:$0x1E260] =	vst v63  }
0x72: {  	_ =	swait.ge [sflag:s14], $0x2800  }
0x73: {  	[sflag:s14] =	ssyncset.done $0x0  }
0x74: {  	s23 =	rddreg [dreg:$0x16];
	[sflag:s14] =	ssyncadd.s32 $0xFFFFD800  }
0x75: {  	[spmem:s23] =	stream.linear.scatter [tilespmem:s15], [sflag:$0xA], $0x500, $0x38;
	[tilespmem:$0x1E260] =	vst v63  }
0x76: {  	_ =	swait.ge [sflag:s14], $0x500  }
0x77: {  	[sflag:s14] =	ssyncset.done $0x0  }
0x78: {  	s8 =	rddreg [dreg:$0x17];
	[sflag:s14] =	ssyncadd.s32 $0xFFFFFB00  }
0x79: {  	[spmem:s8] =	stream.linear.scatter [tilespmem:s13], [sflag:$0xA], $0x2800, $0x38;
	[tilespmem:$0x1E260] =	vst v63  }
0x7a: {  	_ =	swait.ge [sflag:s14], $0x2800  }
0x7b: {  	[sflag:s14] =	ssyncset.done $0x0  }
0x7c: {  	s11 =	rddreg [dreg:$0x18];
	[sflag:s14] =	ssyncadd.s32 $0xFFFFD800  }
0x7d: {  	[spmem:s11] =	stream.linear.scatter [tilespmem:s15], [sflag:$0xA], $0x500, $0x38;
	[tilespmem:$0x1E260] =	vst v63  }
0x7e: {  	_ =	swait.ge [sflag:s14], $0x500  }
0x7f: {  	[sflag:s14] =	ssyncset.done $0x0  }
0x80: {  	s12 =	rddreg [dreg:$0x19];
	[sflag:s14] =	ssyncadd.s32 $0xFFFFFB00  }
0x81: {  	[spmem:s12] =	stream.linear.scatter [tilespmem:s13], [sflag:$0xA], $0x2400, $0x38;
	[tilespmem:$0x1E260] =	vst v63  }
0x82: {  	_ =	swait.ge [sflag:s14], $0x2400  }
0x83: {  	[sflag:s14] =	ssyncset.done $0x0  }
0x84: {  	s23 =	rddreg [dreg:$0x1a];
	[sflag:s14] =	ssyncadd.s32 $0xFFFFDC00  }
0x85: {  	[spmem:s23] =	stream.linear.scatter [tilespmem:s15], [sflag:$0xA], $0x480, $0x38;
	[tilespmem:$0x1E260] =	vst v63  }
0x86: {  	_ =	swait.ge [sflag:s14], $0x480  }
0x87: {  	[sflag:s14] =	ssyncset.done $0x0  }
0x88: {  	s11 =	simm.s32 $0x40;
	s12 =	simm.s32 $0x0;
	[sflag:s14] =	ssyncadd.s32 $0xFFFFFB80  }
.LBB2_4:
0x89: {  	p0 =	sne.s32 s11, $0x13C0;
	[tilespmem:s12+$0x79E0] =	vst v1;
	s12 =	smov.u32 s11;
	s11 =	sadd.s32 $0x40, s11  }
.Ltmp1:
0x8a: {  	(pc) =	sbr.rel @p0 .LBB2_4-.Ltmp1, $2  }
0x8b: {  	_ =	sdelay $0x2  }
0x8c: {  	s12 =	sshra.s32 s12, $0x2  }
0x8d: {  	[tilespmem:s12+$0x79E0] =	vst v1  }
0x8e: {  	[bflag:$0x0] =	sbarrier.arrive $0xFFFF  }
0x8f: {  	s11 =	simm.s32 $0x0;
	s7 =	rddreg [dreg:$0x1b]  }
0x90: {  	[tilespmem:s11], [sflag:$0x1] =	stream.linear.gather [hbm4b:s7+s11], $0x50, $0x38;
	[tilespmem:$0x1E260] =	vst v63  }
0x91: {  	s12 =	rddreg [dreg:$0x1f]  }
0x92: {  	[tilespmem:s16], [sflag:$0x1] =	stream.linear.gather [hbm4b:s12+s11], $0x50, $0x38;
	[tilespmem:$0x1E260] =	vst v63  }
0x93: {  	_ =	swait.ge [sflag:s17], $0x50  }
0x94: {  	[sflag:s17] =	ssyncset.done $0x0  }
0x95: {  	[sflag:s17] =	ssyncadd.s32 $0xFFFFFFB0  }
0x96: {  	_ =	swait.ge [sflag:s17], $0x50  }
0x97: {  	[sflag:s17] =	ssyncset.done $0x0  }
0x98: {  	s23 =	sld [smem:$0x7F6];
	[sflag:s17] =	ssyncadd.s32 $0xFFFFFFB0  }
0x99: {  	[tilespmem:s13], [sflag:$0x4] =	stream.indirect.gather [hbm4b:s1+s18], $0x80, s11, s18, $0xb8;
	[tilespmem:$0x1E260] =	vst v63  }
0x9a: {  	s8 =	sld [smem:$0x7F7]  }
0x9b: {  	[tilespmem:s18], [sflag:$0x2] =	stream.linear.gather [hbm4b:s23+s11], $0x50, $0x38;
	[tilespmem:$0x1E260] =	vst v63  }
0x9c: {  	_ = 	snop  }
0x9d: {  	[tilespmem:s19], [sflag:$0x2] =	stream.linear.gather [hbm4b:s8+s11], $0x50, $0x38;
	[tilespmem:$0x1E260] =	vst v63  }
0x9e: {  	_ =	swait.ge [sflag:s20], $0x50  }
0x9f: {  	[sflag:s20] =	ssyncset.done $0x0  }
0xa0: {  	[sflag:s20] =	ssyncadd.s32 $0xFFFFFFB0  }
0xa1: {  	_ =	swait.ge [sflag:s20], $0x50  }
0xa2: {  	[sflag:s20] =	ssyncset.done $0x0  }
0xa3: {  	s12 =	sld [smem:$0x7F8];
	[sflag:s20] =	ssyncadd.s32 $0xFFFFFFB0  }
0xa4: {  	[tilespmem:s21], [sflag:$0x5] =	stream.indirect.gather [hbm4b:s1+s18], $0x80, s18, s18, $0xb8;
	[tilespmem:$0x1E260] =	vst v63  }
0xa5: {  	s23 =	sld [smem:$0x7F9]  }
0xa6: {  	[tilespmem:s22], [sflag:$0x3] =	stream.linear.gather [hbm4b:s12+s11], $0x50, $0x38;
	[tilespmem:$0x1E260] =	vst v63  }
0xa7: {  	_ = 	snop  }
0xa8: {  	[tilespmem:s24], [sflag:$0x3] =	stream.linear.gather [hbm4b:s23+s11], $0x50, $0x38;
	[tilespmem:$0x1E260] =	vst v63  }
0xa9: {  	_ =	swait.ge [sflag:s25], $0x2800  }
0xaa: {  	[sflag:s25] =	ssyncset.done $0x0  }
0xab: {  	[sflag:s25] =	ssyncadd.s32 $0xFFFFD800  }
0xac: {  	[spmem:s4] =	stream.indirect.scatter.add.f32 [tilespmem:s13], [sflag:$0x7], $0x80, s16, s18, $0xb8;
	[tilespmem:$0x1E260] =	vst v63  }
0xad: {  	_ = 	snop  }
0xae: {  	[spmem:s5] =	stream.indirect.scatter.add.f32 [tilespmem:s15], [sflag:$0x7], $0x10, s16, s18, $0xb8;
	[tilespmem:$0x1E260] =	vst v63  }
0xaf: {  	_ =	swait.ge [sflag:s26], $0x2800  }
0xb0: {  	[sflag:s26] =	ssyncset.done $0x0  }
0xb1: {  	[sflag:s26] =	ssyncadd.s32 $0xFFFFD800  }
0xb2: {  	_ =	swait.ge [sflag:s26], $0x500  }
0xb3: {  	s7 =	sshrl.u32 s28, $0x3;
	[sflag:s26] =	ssyncset.done $0x0  }
0xb4: {  	s11 =	sadd.s32 s2, s7;
	s8 =	rddreg [dreg:$0xa];
	[sflag:s26] =	ssyncadd.s32 $0xFFFFFB00  }
0xb5: {  	[tilespmem:s6], [sflag:$0x1] =	stream.linear.gather [hbm4b:s11+s6], $0x50, $0x38;
	[tilespmem:$0x1E260] =	vst v63  }
0xb6: {  	s23 =	sadd.s32 $0x0, s8  }
0xb7: {  	[tilespmem:s16], [sflag:$0x1] =	stream.linear.gather [hbm4b:s23+s6], $0x50, $0x38;
	[tilespmem:$0x1E260] =	vst v63  }
0xb8: {  	_ =	swait.ge [sflag:s29], $0x50  }
0xb9: {  	[sflag:s29] =	ssyncset.done $0x0  }
0xba: {  	[sflag:s29] =	ssyncadd.s32 $0xFFFFFFB0  }
0xbb: {  	_ =	swait.ge [sflag:s29], $0x50  }
0xbc: {  	[sflag:s29] =	ssyncset.done $0x0  }
0xbd: {  	[sflag:s29] =	ssyncadd.s32 $0xFFFFFFB0  }
0xbe: {  	[tilespmem:s30], [sflag:$0x6] =	stream.indirect.gather [hbm4b:s1+s18], $0x80, s22, s18, $0xb8;
	[tilespmem:$0x1E260] =	vst v63  }
0xbf: {  	_ =	swait.ge [sflag:s31], $0x2800  }
0xc0: {  	[sflag:s31] =	ssyncset.done $0x0  }
0xc1: {  	[sflag:s31] =	ssyncadd.s32 $0xFFFFD800  }
0xc2: {  	[spmem:s4] =	stream.indirect.scatter.add.f32 [tilespmem:s21], [sflag:$0x8], $0x80, s19, s18, $0xb8;
	[tilespmem:$0x1E260] =	vst v63  }
0xc3: {  	_ = 	snop  }
0xc4: {  	[spmem:s5] =	stream.indirect.scatter.add.f32 [tilespmem:s15], [sflag:$0x8], $0x10, s19, s18, $0xb8;
	[tilespmem:$0x1E260] =	vst v63  }
0xc5: {  	_ =	swait.ge [sflag:s3], $0x2800  }
0xc6: {  	[sflag:s3] =	ssyncset.done $0x0  }
0xc7: {  	[sflag:s3] =	ssyncadd.s32 $0xFFFFD800  }
0xc8: {  	_ =	swait.ge [sflag:s3], $0x500  }
0xc9: {  	s7 =	rddreg [dreg:$0x8];
	[sflag:s3] =	ssyncset.done $0x0  }
0xca: {  	s8 =	rddreg [dreg:$0x9];
	[sflag:s3] =	ssyncadd.s32 $0xFFFFFB00;
	s11 =	sadd.s32 $0x0, s7  }
0xcb: {  	[tilespmem:s18], [sflag:$0x2] =	stream.linear.gather [hbm4b:s11+s6], $0x50, $0x38;
	[tilespmem:$0x1E260] =	vst v63  }
0xcc: {  	s23 =	sadd.s32 $0x0, s8  }
0xcd: {  	[tilespmem:s19], [sflag:$0x2] =	stream.linear.gather [hbm4b:s23+s6], $0x50, $0x38;
	[tilespmem:$0x1E260] =	vst v63  }
0xce: {  	_ =	swait.ge [sflag:s17], $0x50  }
0xcf: {  	[sflag:s17] =	ssyncset.done $0x0  }
0xd0: {  	[sflag:s17] =	ssyncadd.s32 $0xFFFFFFB0  }
0xd1: {  	_ =	swait.ge [sflag:s17], $0x50  }
0xd2: {  	[sflag:s17] =	ssyncset.done $0x0  }
0xd3: {  	[sflag:s17] =	ssyncadd.s32 $0xFFFFFFB0  }
0xd4: {  	[tilespmem:s13], [sflag:$0x4] =	stream.indirect.gather [hbm4b:s1+s18], $0x80, s6, s18, $0xb8;
	[tilespmem:$0x1E260] =	vst v63  }
0xd5: {  	_ =	swait.ge [sflag:s0], $0x2800  }
0xd6: {  	[sflag:s0] =	ssyncset.done $0x0  }
0xd7: {  	[sflag:s0] =	ssyncadd.s32 $0xFFFFD800  }
0xd8: {  	[spmem:s4] =	stream.indirect.scatter.add.f32 [tilespmem:s30], [sflag:$0x9], $0x80, s24, s18, $0xb8;
	[tilespmem:$0x1E260] =	vst v63  }
0xd9: {  	_ = 	snop  }
0xda: {  	[spmem:s5] =	stream.indirect.scatter.add.f32 [tilespmem:s15], [sflag:$0x9], $0x10, s24, s18, $0xb8;
	[tilespmem:$0x1E260] =	vst v63  }
0xdb: {  	_ =	swait.ge [sflag:s9], $0x2800  }
0xdc: {  	[sflag:s9] =	ssyncset.done $0x0  }
0xdd: {  	[sflag:s9] =	ssyncadd.s32 $0xFFFFD800  }
0xde: {  	_ =	swait.ge [sflag:s9], $0x500  }
0xdf: {  	s7 =	rddreg [dreg:$0x6];
	[sflag:s9] =	ssyncset.done $0x0  }
0xe0: {  	s8 =	rddreg [dreg:$0x7];
	[sflag:s9] =	ssyncadd.s32 $0xFFFFFB00;
	s11 =	sadd.s32 $0x0, s7  }
0xe1: {  	[tilespmem:s22], [sflag:$0x3] =	stream.linear.gather [hbm4b:s11+s6], $0x50, $0x38;
	[tilespmem:$0x1E260] =	vst v63  }
0xe2: {  	s23 =	sadd.s32 $0x0, s8  }
0xe3: {  	[tilespmem:s24], [sflag:$0x3] =	stream.linear.gather [hbm4b:s23+s6], $0x50, $0x38;
	[tilespmem:$0x1E260] =	vst v63  }
0xe4: {  	_ =	swait.ge [sflag:s20], $0x50  }
0xe5: {  	[sflag:s20] =	ssyncset.done $0x0  }
0xe6: {  	[sflag:s20] =	ssyncadd.s32 $0xFFFFFFB0  }
0xe7: {  	_ =	swait.ge [sflag:s20], $0x50  }
0xe8: {  	[sflag:s20] =	ssyncset.done $0x0  }
0xe9: {  	[sflag:s20] =	ssyncadd.s32 $0xFFFFFFB0  }
0xea: {  	[tilespmem:s21], [sflag:$0x5] =	stream.indirect.gather [hbm4b:s1+s18], $0x80, s18, s18, $0xb8;
	[tilespmem:$0x1E260] =	vst v63  }
0xeb: {  	_ =	swait.ge [sflag:s25], $0x2800  }
0xec: {  	[sflag:s25] =	ssyncset.done $0x0  }
0xed: {  	s12 =	sadd.s32 $0xF0, s28;
	s11 =	simm.s32 $0x1E;
	[sflag:s25] =	ssyncadd.s32 $0xFFFFD800  }
0xee: {  	[spmem:s4] =	stream.indirect.scatter.add.f32 [tilespmem:s13], [sflag:$0x7], $0x80, s16, s18, $0xb8;
	[tilespmem:$0x1E260] =	vst v63  }
.LBB2_6:
0xef: {  	[spmem:s5] =	stream.indirect.scatter.add.f32 [tilespmem:s15], [sflag:$0x7], $0x10, s16, s18, $0xb8;
	[tilespmem:$0x1E260] =	vst v63  }
0xf0: {  	_ =	swait.ge [sflag:s26], $0x2800  }
0xf1: {  	[sflag:s26] =	ssyncset.done $0x0  }
0xf2: {  	[sflag:s26] =	ssyncadd.s32 $0xFFFFD800  }
0xf3: {  	_ =	swait.ge [sflag:s26], $0x500  }
0xf4: {  	s23 =	smov.u32 s11;
	s7 =	sshrl.u32 s12, $0x3;
	[sflag:s26] =	ssyncset.done $0x0  }
0xf5: {  	s7 =	sadd.s32 s2, s7;
	s8 =	rddreg [dreg:$0xa];
	[sflag:s26] =	ssyncadd.s32 $0xFFFFFB00  }
0xf6: {  	[tilespmem:s6], [sflag:$0x1] =	stream.linear.gather [hbm4b:s7+s6], $0x50, $0x38;
	[tilespmem:$0x1E260] =	vst v63  }
0xf7: {  	s8 =	sadd.s32 s23, s8  }
0xf8: {  	[tilespmem:s16], [sflag:$0x1] =	stream.linear.gather [hbm4b:s8+s6], $0x50, $0x38;
	[tilespmem:$0x1E260] =	vst v63  }
0xf9: {  	_ =	swait.ge [sflag:s29], $0x50  }
0xfa: {  	[sflag:s29] =	ssyncset.done $0x0  }
0xfb: {  	[sflag:s29] =	ssyncadd.s32 $0xFFFFFFB0  }
0xfc: {  	_ =	swait.ge [sflag:s29], $0x50  }
0xfd: {  	[sflag:s29] =	ssyncset.done $0x0  }
0xfe: {  	[sflag:s29] =	ssyncadd.s32 $0xFFFFFFB0  }
0xff: {  	[tilespmem:s30], [sflag:$0x6] =	stream.indirect.gather [hbm4b:s1+s18], $0x80, s22, s18, $0xb8;
	[tilespmem:$0x1E260] =	vst v63  }
0x100: {  	_ =	swait.ge [sflag:s31], $0x2800  }
0x101: {  	[sflag:s31] =	ssyncset.done $0x0  }
0x102: {  	[sflag:s31] =	ssyncadd.s32 $0xFFFFD800  }
0x103: {  	[spmem:s4] =	stream.indirect.scatter.add.f32 [tilespmem:s21], [sflag:$0x8], $0x80, s19, s18, $0xb8;
	[tilespmem:$0x1E260] =	vst v63  }
0x104: {  	_ = 	snop  }
0x105: {  	[spmem:s5] =	stream.indirect.scatter.add.f32 [tilespmem:s15], [sflag:$0x8], $0x10, s19, s18, $0xb8;
	[tilespmem:$0x1E260] =	vst v63  }
0x106: {  	_ =	swait.ge [sflag:s3], $0x2800  }
0x107: {  	[sflag:s3] =	ssyncset.done $0x0  }
0x108: {  	[sflag:s3] =	ssyncadd.s32 $0xFFFFD800  }
0x109: {  	_ =	swait.ge [sflag:s3], $0x500  }
0x10a: {  	s7 =	rddreg [dreg:$0x8];
	[sflag:s3] =	ssyncset.done $0x0  }
0x10b: {  	s8 =	rddreg [dreg:$0x9];
	[sflag:s3] =	ssyncadd.s32 $0xFFFFFB00;
	s7 =	sadd.s32 s23, s7  }
0x10c: {  	[tilespmem:s18], [sflag:$0x2] =	stream.linear.gather [hbm4b:s7+s6], $0x50, $0x38;
	[tilespmem:$0x1E260] =	vst v63  }
0x10d: {  	s8 =	sadd.s32 s23, s8  }
0x10e: {  	[tilespmem:s19], [sflag:$0x2] =	stream.linear.gather [hbm4b:s8+s6], $0x50, $0x38;
	[tilespmem:$0x1E260] =	vst v63  }
0x10f: {  	_ =	swait.ge [sflag:s17], $0x50  }
0x110: {  	[sflag:s17] =	ssyncset.done $0x0  }
0x111: {  	[sflag:s17] =	ssyncadd.s32 $0xFFFFFFB0  }
0x112: {  	_ =	swait.ge [sflag:s17], $0x50  }
0x113: {  	[sflag:s17] =	ssyncset.done $0x0  }
0x114: {  	[sflag:s17] =	ssyncadd.s32 $0xFFFFFFB0  }
0x115: {  	[tilespmem:s13], [sflag:$0x4] =	stream.indirect.gather [hbm4b:s1+s18], $0x80, s6, s18, $0xb8;
	[tilespmem:$0x1E260] =	vst v63  }
0x116: {  	_ =	swait.ge [sflag:s0], $0x2800  }
0x117: {  	[sflag:s0] =	ssyncset.done $0x0  }
0x118: {  	[sflag:s0] =	ssyncadd.s32 $0xFFFFD800  }
0x119: {  	[spmem:s4] =	stream.indirect.scatter.add.f32 [tilespmem:s30], [sflag:$0x9], $0x80, s24, s18, $0xb8;
	[tilespmem:$0x1E260] =	vst v63  }
0x11a: {  	_ = 	snop  }
0x11b: {  	[spmem:s5] =	stream.indirect.scatter.add.f32 [tilespmem:s15], [sflag:$0x9], $0x10, s24, s18, $0xb8;
	[tilespmem:$0x1E260] =	vst v63  }
0x11c: {  	_ =	swait.ge [sflag:s9], $0x2800  }
0x11d: {  	[sflag:s9] =	ssyncset.done $0x0  }
0x11e: {  	[sflag:s9] =	ssyncadd.s32 $0xFFFFD800  }
0x11f: {  	_ =	swait.ge [sflag:s9], $0x500  }
0x120: {  	s7 =	rddreg [dreg:$0x6];
	[sflag:s9] =	ssyncset.done $0x0  }
0x121: {  	s8 =	rddreg [dreg:$0x7];
	[sflag:s9] =	ssyncadd.s32 $0xFFFFFB00;
	s7 =	sadd.s32 s23, s7  }
0x122: {  	[tilespmem:s22], [sflag:$0x3] =	stream.linear.gather [hbm4b:s7+s6], $0x50, $0x38;
	[tilespmem:$0x1E260] =	vst v63  }
0x123: {  	s23 =	sadd.s32 s23, s8  }
0x124: {  	[tilespmem:s24], [sflag:$0x3] =	stream.linear.gather [hbm4b:s23+s6], $0x50, $0x38;
	[tilespmem:$0x1E260] =	vst v63  }
0x125: {  	_ =	swait.ge [sflag:s20], $0x50  }
0x126: {  	[sflag:s20] =	ssyncset.done $0x0  }
0x127: {  	[sflag:s20] =	ssyncadd.s32 $0xFFFFFFB0  }
0x128: {  	_ =	swait.ge [sflag:s20], $0x50  }
0x129: {  	[sflag:s20] =	ssyncset.done $0x0  }
0x12a: {  	p0 =	sne.s32 s11, $0x492;
	[sflag:s20] =	ssyncadd.s32 $0xFFFFFFB0  }
0x12b: {  	[tilespmem:s21], [sflag:$0x5] =	stream.indirect.gather [hbm4b:s1+s18], $0x80, s18, s18, $0xb8;
	[tilespmem:$0x1E260] =	vst v63  }
.Ltmp2:
0x12c: {  	_ = 	snop;
	(pc) =	sbr.rel @p0 .LBB2_6-.Ltmp2, $4  }
0x12d: {  	_ =	swait.ge [sflag:s25], $0x2800  }
0x12e: {  	[sflag:s25] =	ssyncset.done $0x0  }
0x12f: {  	s11 =	sadd.s32 $0x1E, s11;
	s12 =	sadd.s32 $0xF0, s12;
	[sflag:s25] =	ssyncadd.s32 $0xFFFFD800  }
0x130: {  	[spmem:s4] =	stream.indirect.scatter.add.f32 [tilespmem:s13], [sflag:$0x7], $0x80, s16, s18, $0xb8;
	[tilespmem:$0x1E260] =	vst v63  }
0x131: {  	[spmem:s5] =	stream.indirect.scatter.add.f32 [tilespmem:s15], [sflag:$0x7], $0x10, s16, s18, $0xb8;
	[tilespmem:$0x1E260] =	vst v63  }
0x132: {  	_ =	swait.ge [sflag:s26], $0x2800  }
0x133: {  	[sflag:s26] =	ssyncset.done $0x0  }
0x134: {  	[sflag:s26] =	ssyncadd.s32 $0xFFFFD800  }
0x135: {  	_ =	swait.ge [sflag:s26], $0x500  }
0x136: {  	s7 =	sld [smem:$0x7FA]  }
0x137: {  	[sflag:s26] =	ssyncset.done $0x0  }
0x138: {  	s11 =	sld [smem:$0x7FB];
	[sflag:s26] =	ssyncadd.s32 $0xFFFFFB00  }
0x139: {  	[tilespmem:s6], [sflag:$0x1] =	stream.linear.gather [hbm4b:s7+s6], $0x50, $0x38;
	[tilespmem:$0x1E260] =	vst v63  }
0x13a: {  	_ = 	snop  }
0x13b: {  	[tilespmem:s16], [sflag:$0x1] =	stream.linear.gather [hbm4b:s11+s6], $0x50, $0x38;
	[tilespmem:$0x1E260] =	vst v63  }
0x13c: {  	_ =	swait.ge [sflag:s29], $0x50  }
0x13d: {  	[sflag:s29] =	ssyncset.done $0x0  }
0x13e: {  	[sflag:s29] =	ssyncadd.s32 $0xFFFFFFB0  }
0x13f: {  	_ =	swait.ge [sflag:s29], $0x50  }
0x140: {  	[sflag:s29] =	ssyncset.done $0x0  }
0x141: {  	[sflag:s29] =	ssyncadd.s32 $0xFFFFFFB0  }
0x142: {  	[tilespmem:s30], [sflag:$0x6] =	stream.indirect.gather [hbm4b:s1+s18], $0x80, s22, s18, $0xb8;
	[tilespmem:$0x1E260] =	vst v63  }
0x143: {  	_ =	swait.ge [sflag:s31], $0x2800  }
0x144: {  	[sflag:s31] =	ssyncset.done $0x0  }
0x145: {  	[sflag:s31] =	ssyncadd.s32 $0xFFFFD800  }
0x146: {  	[spmem:s4] =	stream.indirect.scatter.add.f32 [tilespmem:s21], [sflag:$0x8], $0x80, s19, s18, $0xb8;
	[tilespmem:$0x1E260] =	vst v63  }
0x147: {  	_ = 	snop  }
0x148: {  	[spmem:s5] =	stream.indirect.scatter.add.f32 [tilespmem:s15], [sflag:$0x8], $0x10, s19, s18, $0xb8;
	[tilespmem:$0x1E260] =	vst v63  }
0x149: {  	_ =	swait.ge [sflag:s3], $0x2800  }
0x14a: {  	[sflag:s3] =	ssyncset.done $0x0  }
0x14b: {  	[sflag:s3] =	ssyncadd.s32 $0xFFFFD800  }
0x14c: {  	_ =	swait.ge [sflag:s3], $0x500  }
0x14d: {  	s12 =	sld [smem:$0x7FC]  }
0x14e: {  	[sflag:s3] =	ssyncset.done $0x0  }
0x14f: {  	s23 =	sld [smem:$0x7FD];
	[sflag:s3] =	ssyncadd.s32 $0xFFFFFB00  }
0x150: {  	[tilespmem:s18], [sflag:$0x2] =	stream.linear.gather [hbm4b:s12+s6], $0x50, $0x38;
	[tilespmem:$0x1E260] =	vst v63  }
0x151: {  	_ = 	snop  }
0x152: {  	[tilespmem:s19], [sflag:$0x2] =	stream.linear.gather [hbm4b:s23+s6], $0x50, $0x38;
	[tilespmem:$0x1E260] =	vst v63  }
0x153: {  	_ =	swait.ge [sflag:s17], $0x50  }
0x154: {  	[sflag:s17] =	ssyncset.done $0x0  }
0x155: {  	[sflag:s17] =	ssyncadd.s32 $0xFFFFFFB0  }
0x156: {  	_ =	swait.ge [sflag:s17], $0x50  }
0x157: {  	[sflag:s17] =	ssyncset.done $0x0  }
0x158: {  	[sflag:s17] =	ssyncadd.s32 $0xFFFFFFB0  }
0x159: {  	[tilespmem:s13], [sflag:$0x4] =	stream.indirect.gather [hbm4b:s1+s18], $0x80, s6, s18, $0xb8;
	[tilespmem:$0x1E260] =	vst v63  }
0x15a: {  	_ =	swait.ge [sflag:s0], $0x2800  }
0x15b: {  	[sflag:s0] =	ssyncset.done $0x0  }
0x15c: {  	[sflag:s0] =	ssyncadd.s32 $0xFFFFD800  }
0x15d: {  	[spmem:s4] =	stream.indirect.scatter.add.f32 [tilespmem:s30], [sflag:$0x9], $0x80, s24, s18, $0xb8;
	[tilespmem:$0x1E260] =	vst v63  }
0x15e: {  	_ = 	snop  }
0x15f: {  	[spmem:s5] =	stream.indirect.scatter.add.f32 [tilespmem:s15], [sflag:$0x9], $0x10, s24, s18, $0xb8;
	[tilespmem:$0x1E260] =	vst v63  }
0x160: {  	_ =	swait.ge [sflag:s9], $0x2800  }
0x161: {  	[sflag:s9] =	ssyncset.done $0x0  }
0x162: {  	[sflag:s9] =	ssyncadd.s32 $0xFFFFD800  }
0x163: {  	_ =	swait.ge [sflag:s9], $0x500  }
0x164: {  	[sflag:s9] =	ssyncset.done $0x0  }
0x165: {  	[sflag:s9] =	ssyncadd.s32 $0xFFFFFB00  }
0x166: {  	_ =	swait.ge [sflag:s20], $0x50  }
0x167: {  	[sflag:s20] =	ssyncset.done $0x0  }
0x168: {  	[sflag:s20] =	ssyncadd.s32 $0xFFFFFFB0  }
0x169: {  	_ =	swait.ge [sflag:s20], $0x50  }
0x16a: {  	[sflag:s20] =	ssyncset.done $0x0  }
0x16b: {  	[sflag:s20] =	ssyncadd.s32 $0xFFFFFFB0  }
0x16c: {  	[tilespmem:s21], [sflag:$0x5] =	stream.indirect.gather [hbm4b:s1+s18], $0x80, s18, s18, $0xb8;
	[tilespmem:$0x1E260] =	vst v63  }
0x16d: {  	_ =	swait.ge [sflag:s25], $0x2800  }
0x16e: {  	[sflag:s25] =	ssyncset.done $0x0  }
0x16f: {  	[sflag:s25] =	ssyncadd.s32 $0xFFFFD800  }
0x170: {  	[spmem:s4] =	stream.indirect.scatter.add.f32 [tilespmem:s13], [sflag:$0x7], $0x80, s16, s18, $0xb8;
	[tilespmem:$0x1E260] =	vst v63  }
0x171: {  	_ = 	snop  }
0x172: {  	[spmem:s5] =	stream.indirect.scatter.add.f32 [tilespmem:s15], [sflag:$0x7], $0x10, s16, s18, $0xb8;
	[tilespmem:$0x1E260] =	vst v63  }
0x173: {  	_ =	swait.ge [sflag:s31], $0x2800  }
0x174: {  	[sflag:s31] =	ssyncset.done $0x0  }
0x175: {  	[sflag:s31] =	ssyncadd.s32 $0xFFFFD800  }
0x176: {  	[spmem:s4] =	stream.indirect.scatter.add.f32 [tilespmem:s21], [sflag:$0x8], $0x80, s19, s18, $0xb8;
	[tilespmem:$0x1E260] =	vst v63  }
0x177: {  	_ = 	snop  }
0x178: {  	[spmem:s5] =	stream.indirect.scatter.add.f32 [tilespmem:s15], [sflag:$0x8], $0x10, s19, s18, $0xb8;
	[tilespmem:$0x1E260] =	vst v63  }
0x179: {  	_ =	swait.ge [sflag:s26], $0x2800  }
0x17a: {  	[sflag:s26] =	ssyncset.done $0x0  }
0x17b: {  	[sflag:s26] =	ssyncadd.s32 $0xFFFFD800  }
0x17c: {  	_ =	swait.ge [sflag:s26], $0x500  }
0x17d: {  	[sflag:s26] =	ssyncset.done $0x0  }
0x17e: {  	[sflag:s26] =	ssyncadd.s32 $0xFFFFFB00  }
0x17f: {  	_ =	swait.ge [sflag:s3], $0x2800  }
0x180: {  	[sflag:s3] =	ssyncset.done $0x0  }
0x181: {  	[sflag:s3] =	ssyncadd.s32 $0xFFFFD800  }
0x182: {  	_ =	swait.ge [sflag:s3], $0x500  }
0x183: {  	[sflag:s3] =	ssyncset.done $0x0  }
0x184: {  	[sflag:s3] =	ssyncadd.s32 $0xFFFFFB00  }
0x185: {  	s8 =	stileid.u32;
	[bflag:$0x0] =	sbarrier.arrive $0xFFFF  }
0x186: {  	s7 =	sshll.u32 s8, $0x6;
	s8 =	rddreg [dreg:$0xb]  }
0x187: {  	s7 =	sor.u32 $0x1C0A, s7;
	s11 =	rddreg [dreg:$0x1c];
	s8 =	sshrl.u32 s8, $0x3  }
0x188: {  	[hbm:s11], [sflag:s7] =	dma.local [spmem:s8], $0x2780  }
0x189: {  	_ =	swait.ge [sflag:s14], $0x2780  }
0x18a: {  	[sflag:s14] =	ssyncset.done $0x0;
	s11 =	rddreg [dreg:$0xc]  }
0x18b: {  	s12 =	rddreg [dreg:$0x1d];
	[sflag:s14] =	ssyncadd.s32 $0xFFFFD880;
	s8 =	sshrl.u32 s11, $0x3  }
0x18c: {  	[hbm:s12], [sflag:s7] =	dma.local [spmem:s8], $0x4F0  }
0x18d: {  	_ =	swait.ge [sflag:s14], $0x4F0  }
0x18e: {  	s10 =	sadd.s32 $0x1, s10;
	s23 =	rddreg [dreg:$0x1e]  }
0x18f: {  	p0 =	sne.s32 s10, s23  }
.Ltmp3:
0x190: {  	_ = 	snop;
	(pc) =	sbr.rel @p0 .LBB2_1-.Ltmp3, $3  }
0x191: {  	_ =	sdelay $0x1  }
0x192: {  	[sflag:s14] =	ssyncset.done $0x0  }
0x193: {  	[sflag:s14] =	ssyncadd.s32 $0xFFFFFB10  }
0x194: {  	_ =	sfence.sel $0x180000  }
0x195: {  	[bflag:$0x0] =	sbarrier.arrive $0xFFFF  }
0x196: {  	_ =	strace $0x90000047  }
0x197: {  	s0 =	stileid.u32;
	[bflag:$0x2] =	sbarrier.arrive $0xFFFF  }
0x198: {  	p0 =	sne.s32 s0, $0x0;
	s0 =	rddreg [dreg:$0x5]  }
0x199: {  	s0 =	sadd.s32 @!p0 $0x100000, s0  }
0x19a: {  	[sflag:s0] =	ssyncadd.tile.s32 @!p0 $0x1;
	_ =	shalt  }
.Lfunc_end2:
_tile_overlayer_lowered:
.L_overlay_start_2:
0x19b: {  	(tag) =	ssettag $0x2  }
0x19c: {  	s0 =	rddreg [dreg:$0x0];
	s2 =	stileid.u32  }
0x19d: {  	s1 =	rddreg [dreg:$0x1];
	p0 =	sne.s32 s2, $0x0  }
0x19e: {  	s3 =	rddreg [dreg:$0x2];
	[bflag:$0x3] =	sbarrier.arrive $0xFFFF;
	s2 =	simm.s32 @!p0 $0x1C0A  }
0x19f: {  	[timem:s3], [sflag:s2] =	dma.local @!p0 [hbm:s0], s1  }
0x1a0: {  	s0 =	simm.s32 @!p0 $0xA  }
0x1a1: {  	_ =	swait.ge @!p0 [sflag:s0], s1  }
0x1a2: {  	s1 =	ssub.s32 @!p0 $0x0, s1;
	[sflag:s0] =	ssyncset.done @!p0 $0x0  }
0x1a3: {  	[sflag:s0] =	ssyncadd.s32 @!p0 s1  }
0x1a4: {  	[bflag:$0x3] =	sbarrier.arrive $0xFFFF  }
0x1a5: {  	_ =	shalt  }

</sc_bundles>
